<compile_context>
chip_gen: v7x
topology: tpu7x:2x2x1
jax: 0.10.2.dev20260603
libtpu: 0.0.44.dev20260713+nightly
codegen_flags: <defaults>
</compile_context>

<pallas_src>
import functools

import numpy as np
import jax
import jax.numpy as jnp
from jax import lax
from jax.experimental import pallas as pl
from jax.experimental.pallas import tpu as pltpu
from jax.experimental.pallas import tpu_sc as plsc

_B = 4
_HW = 262144
_K = 52428
_ROWS = 2048
_KP = 53248
_IVC = 3328
_PRC = 1664
_NPP = 26624

_rng = np.random.default_rng(0)
_samp = np.stack([_rng.integers(0, _HW - _K, size=_K) for _ in range(_B)]).astype(np.int32)
_mask_A = _rng.random(_HW) >= (1.0 - 0.1)
_perm = _rng.permutation(_HW)
_idx_A = np.flatnonzero(_mask_A).astype(np.int32)
_idx_B = np.flatnonzero(_mask_A[_perm]).astype(np.int32)
_NP = int(len(_idx_A))

_glob_off = (np.arange(_B)[:, None] * _HW).astype(np.int32)
_samp_p = np.zeros((_B, _KP), np.int32)
_samp_p[:, :_K] = _samp
_GIDX = (_samp_p + _K).reshape(-1)
_pa = np.zeros(_NPP, np.int32)
_pa[:_NP] = _idx_A
_pb = np.zeros(_NPP, np.int32)
_pb[:_NP] = _idx_B
_PA4 = (_pa[None, :] + _glob_off).reshape(-1)
_PB4 = (_pb[None, :] + _glob_off).reshape(-1)



def _excl_prefix(x):
    i0 = lax.broadcasted_iota(jnp.int32, (128, 128), 0)
    i1 = lax.broadcasted_iota(jnp.int32, (128, 128), 1)
    a = (i0 < i1).astype(jnp.float32)
    within = jnp.dot(x.reshape(_B * _ROWS, 128), a,
                     preferred_element_type=jnp.float32).reshape(_B, _ROWS, 128)
    s = jnp.sum(x, axis=2, keepdims=True)
    inc = s
    sh = 1
    while sh < _ROWS:
        z = jnp.zeros((_B, sh, 1), jnp.float32)
        inc = inc + jnp.concatenate([z, inc[:, :-sh]], axis=1)
        sh *= 2
    return within + (inc - s)


def _dst_body(bits_ref, dst_ref):
    x = bits_ref[...]
    kf = jnp.float32(_K)

    def it(i, p):
        cand = p | (jnp.int32(1) << (jnp.int32(29) - i))
        cnt = jnp.sum((x < cand).astype(jnp.float32), axis=(1, 2), keepdims=True)
        return jnp.where(cnt < kf, cand, p)

    p = lax.fori_loop(0, 30, it, jnp.zeros((_B, 1, 1), jnp.int32))
    count_lt = jnp.sum((x < p).astype(jnp.float32), axis=(1, 2), keepdims=True)
    c = kf - count_lt
    lt = x < p
    eq = x == p
    eq_rank = _excl_prefix(eq.astype(jnp.float32))
    is_inval = lt | (eq & (eq_rank < c))
    iv_rank = _excl_prefix(is_inval.astype(jnp.float32))
    rid = lax.broadcasted_iota(jnp.int32, (_ROWS, 128), 0)
    cid = lax.broadcasted_iota(jnp.int32, (_ROWS, 128), 1)
    pidx = (rid * 128 + cid).astype(jnp.float32)
    dstf = jnp.where(is_inval, iv_rank, kf + pidx - iv_rank)
    dst_ref[...] = dstf.astype(jnp.int32)


_dst_call = pl.pallas_call(
    _dst_body,
    out_shape=jax.ShapeDtypeStruct((_B, _ROWS, 128), jnp.int32),
)



_CH = _HW // 16


def _sc_body(dst_hbm, gidx_hbm, pa_hbm, pb_hbm, gt_hbm, pr_hbm,
             o_gtiv, o_priv, o_gtv, o_prv, o_ga, o_gb, o_pa, o_pb,
             dst_v, gval, pval, gx_v, pa_x, pb_x,
             b_gtv, b_prv, b_ga, b_gb, b_pa, b_pb,
             gtc_sh, prc_sh, sem, semp):
    c = lax.axis_index("c")
    s = lax.axis_index("s")
    e0 = s * _CH
    for bi in range(2):
        b = c * 2 + bi
        base = b * _HW + e0
        oo_p = (b * 16 + s) * _PRC
        oo = (b * 16 + s) * _IVC
        pltpu.sync_copy(pa_hbm.at[pl.ds(oo_p, _PRC)], pa_x)
        pltpu.sync_copy(pb_hbm.at[pl.ds(oo_p, _PRC)], pb_x)
        hp1 = pltpu.async_copy(gt_hbm.at[pa_x], b_ga, semp)
        hp2 = pltpu.async_copy(gt_hbm.at[pb_x], b_gb, semp)
        hp3 = pltpu.async_copy(pr_hbm.at[pa_x], b_pa, semp)
        hp4 = pltpu.async_copy(pr_hbm.at[pb_x], b_pb, semp)
        pltpu.sync_copy(dst_hbm.at[pl.ds(base, _CH)], dst_v)
        pltpu.sync_copy(gt_hbm.at[pl.ds(base, _CH)], gval)
        pltpu.sync_copy(pr_hbm.at[pl.ds(base, _CH)], pval)
        h1 = pltpu.async_copy(gval, gtc_sh.at[dst_v], sem)
        h2 = pltpu.async_copy(pval, prc_sh.at[dst_v], sem)
        h1.wait()
        h2.wait()
        hp1.wait()
        hp2.wait()
        hp3.wait()
        hp4.wait()
        pltpu.sync_copy(b_ga, o_ga.at[pl.ds(oo_p, _PRC)])
        pltpu.sync_copy(b_gb, o_gb.at[pl.ds(oo_p, _PRC)])
        pltpu.sync_copy(b_pa, o_pa.at[pl.ds(oo_p, _PRC)])
        pltpu.sync_copy(b_pb, o_pb.at[pl.ds(oo_p, _PRC)])
        plsc.subcore_barrier()
        lo = s * _IVC
        pltpu.sync_copy(gtc_sh.at[pl.ds(lo, _IVC)], o_gtiv.at[pl.ds(oo, _IVC)])
        pltpu.sync_copy(prc_sh.at[pl.ds(lo, _IVC)], o_priv.at[pl.ds(oo, _IVC)])
        pltpu.sync_copy(gidx_hbm.at[pl.ds(oo, _IVC)], gx_v)
        h3 = pltpu.async_copy(gtc_sh.at[gx_v], b_gtv, sem)
        h4 = pltpu.async_copy(prc_sh.at[gx_v], b_prv, sem)
        h3.wait()
        h4.wait()
        pltpu.sync_copy(b_gtv, o_gtv.at[pl.ds(oo, _IVC)])
        pltpu.sync_copy(b_prv, o_prv.at[pl.ds(oo, _IVC)])
        plsc.subcore_barrier()


@functools.lru_cache(maxsize=1)
def _sc_calls():
    mesh = plsc.VectorSubcoreMesh(core_axis_name="c", subcore_axis_name="s")
    f4 = jax.ShapeDtypeStruct((_B * 16 * _IVC,), jnp.float32)
    p4 = jax.ShapeDtypeStruct((_B * 16 * _PRC,), jnp.float32)
    return pl.kernel(
        _sc_body,
        out_type=[f4, f4, f4, f4, p4, p4, p4, p4],
        mesh=mesh,
        scratch_types=[
            pltpu.VMEM((_CH,), jnp.int32),
            pltpu.VMEM((_CH,), jnp.float32),
            pltpu.VMEM((_CH,), jnp.float32),
            pltpu.VMEM((_IVC,), jnp.int32),
            pltpu.VMEM((_PRC,), jnp.int32),
            pltpu.VMEM((_PRC,), jnp.int32),
            pltpu.VMEM((_IVC,), jnp.float32),
            pltpu.VMEM((_IVC,), jnp.float32),
            pltpu.VMEM((_PRC,), jnp.float32),
            pltpu.VMEM((_PRC,), jnp.float32),
            pltpu.VMEM((_PRC,), jnp.float32),
            pltpu.VMEM((_PRC,), jnp.float32),
            pltpu.VMEM_SHARED((_HW,), jnp.float32),
            pltpu.VMEM_SHARED((_HW,), jnp.float32),
            pltpu.SemaphoreType.DMA,
            pltpu.SemaphoreType.DMA,
        ],
    )



def _loss_body(gtiv_ref, priv_ref, gtv_ref, prv_ref, ga_ref, gb_ref,
               pa_ref, pb_ref, out_ref):
    thr = jnp.float32(1.0 + 0.15)
    a = gtiv_ref[...]
    v = gtv_ref[...]
    m1 = lax.broadcasted_iota(jnp.int32, (_B, _KP), 1) < _K
    t1 = jnp.where(a / v >= thr, 1.0, jnp.where(v / a > thr, -1.0, 0.0)).astype(jnp.float32)
    w1 = (t1 != 0.0) & m1
    pd1 = priv_ref[...] - prv_ref[...]
    l1 = jnp.sum(jnp.where(w1, jnp.log(1.0 + jnp.exp(-t1 * pd1)), 0.0))
    n1 = jnp.sum(w1.astype(jnp.float32))

    za = ga_ref[...]
    zb = gb_ref[...]
    m2 = lax.broadcasted_iota(jnp.int32, (_B, _NPP), 1) < _NP
    ok = (za > 1e-8) | (zb > 1e-8)
    t2 = jnp.where(za / zb > thr, 1.0, jnp.where(zb / za > thr, -1.0, 0.0)).astype(jnp.float32)
    w2 = ok & (t2 != 0.0) & m2
    pd2 = pa_ref[...] - pb_ref[...]
    l2 = jnp.sum(jnp.where(w2, jnp.log(1.0 + jnp.exp(-t2 * pd2)), 0.0))
    n2 = jnp.sum(w2.astype(jnp.float32))
    out_ref[0, 0] = (l2 + l1) / (n2 + n1)


_loss_call = pl.pallas_call(
    _loss_body,
    out_specs=pl.BlockSpec(memory_space=pltpu.SMEM),
    out_shape=jax.ShapeDtypeStruct((1, 1), jnp.float32),
)


def kernel(pred_depth, gt_depth, tgt_valid_weight):
    bits = lax.bitcast_convert_type(tgt_valid_weight, jnp.int32).reshape(_B, _ROWS, 128)
    dst = _dst_call(bits).reshape(_B * _HW)
    gt1 = gt_depth.reshape(-1)
    pr1 = pred_depth.reshape(-1)
    outs = _sc_calls()(dst, jnp.asarray(_GIDX), jnp.asarray(_PA4),
                       jnp.asarray(_PB4), gt1, pr1)
    gtiv, priv, gtv, prv = [o.reshape(_B, _KP) for o in outs[:4]]
    ga, gb, pa, pb = [o.reshape(_B, _NPP) for o in outs[4:]]
    total = _loss_call(gtiv, priv, gtv, prv, ga, gb, pa, pb)
    return total[0, 0]

# --- scband reference (transcript-rebuilt; emitter-appended) ---
"""Pipeline reference for scband-mask-ranking-loss-163208757557 (READ-ONLY COPY).

The authoritative reference and input builder live on the scoring server;
editing this copy changes nothing except your own understanding.
"""

import jax, jax.numpy as jnp
import numpy as np

SAMPLE_RATIO = 0.1
FILTER_DEPTH = 1e-08
THETA = 0.15
UNRELIABLE_PERCENT = 0.2


def setup_inputs(seed: int = 0) -> dict:
    key = jax.random.key(seed)
    k1, k2, k3 = jax.random.split(key, 3)
    B, C, H, W = 4, 1, 512, 512
    # depths are positive (scaled uniform) like real depth maps
    pred_depth = jax.random.uniform(k1, (B, C, H, W), dtype=jnp.float32, minval=0.01, maxval=10.0)
    gt_depth = jax.random.uniform(k2, (B, C, H, W), dtype=jnp.float32, minval=0.01, maxval=10.0)
    tgt_valid_weight = jax.random.uniform(k3, (B, C, H, W), dtype=jnp.float32)
    return {"pred_depth": pred_depth, "gt_depth": gt_depth, "tgt_valid_weight": tgt_valid_weight}


def _build_indices(tgt_valid_weight):
    # Shape-only (numpy) computation of all RNG index sets; the data-dependent
    # argsort of the weights is done in JAX with fixed output shapes.
    # These are integer constants w.r.t. differentiation.
    B, C, H, W = tgt_valid_weight.shape
    HW = C * H * W
    k = int(UNRELIABLE_PERCENT * H * W)
    rng = np.random.default_rng(0)
    samp = []
    for bs in range(B):
        samp.append(rng.integers(0, HW - k, size=k))
    samp = np.stack(samp).astype(np.int32)  # [B, k]
    # global random point-pair masks (shared across batch, as in the torch code)
    mask_A = rng.random(HW) >= (1.0 - SAMPLE_RATIO)
    perm = rng.permutation(HW)
    mask_B = mask_A[perm]  # random permutation of mask_A -> same number of True entries
    idx_A = np.flatnonzero(mask_A).astype(np.int32)
    idx_B = np.flatnonzero(mask_B).astype(np.int32)
    order = jnp.argsort(tgt_valid_weight.reshape(B, -1), axis=1, stable=True)
    inval_idx = jnp.sort(order[:, :k], axis=1).astype(jnp.int32)   # [B, k]
    valid = jnp.sort(order[:, k:], axis=1)                          # [B, HW-k]
    val_idx = jnp.take_along_axis(valid, jnp.asarray(samp), axis=1).astype(jnp.int32)  # [B, k]
    return inval_idx, val_idx, idx_A, idx_B


def reference(pred_depth, gt_depth, tgt_valid_weight):
    B, C, H, W = pred_depth.shape
    HW = C * H * W
    inval_idx, val_idx, idx_A, idx_B = _build_indices(tgt_valid_weight)
    inval_idx = jnp.asarray(inval_idx)
    val_idx = jnp.asarray(val_idx)
    idx_A = jnp.asarray(idx_A)
    idx_B = jnp.asarray(idx_B)

    gt_flat = gt_depth.reshape(B, HW)
    pr_flat = pred_depth.reshape(B, HW)

    # ---- percent-mask (unreliable vs reliable) ranking target ----
    gt_inval = jnp.take_along_axis(gt_flat, inval_idx, axis=1).reshape(-1)
    pr_inval = jnp.take_along_axis(pr_flat, inval_idx, axis=1).reshape(-1)
    gt_val = jnp.take_along_axis(gt_flat, val_idx, axis=1).reshape(-1)
    pr_val = jnp.take_along_axis(pr_flat, val_idx, axis=1).reshape(-1)
    flag1 = gt_inval / gt_val
    flag2 = gt_val / gt_inval
    target1 = jnp.where(flag1 >= 1.0 + THETA, 1.0,
                        jnp.where(flag2 > 1.0 + THETA, -1.0, 0.0)).astype(jnp.float32)
    w1 = target1 != 0
    pd1 = pr_inval - pr_val
    loss_percent = jnp.sum(jnp.where(w1, jnp.log(1.0 + jnp.exp(-target1 * pd1)), 0.0))
    n1 = jnp.sum(w1)

    # ---- global random-pair ranking target ----
    za_gt = gt_flat[:, idx_A].reshape(-1)
    zb_gt = gt_flat[:, idx_B].reshape(-1)
    za_pr = pr_flat[:, idx_A].reshape(-1)
    zb_pr = pr_flat[:, idx_B].reshape(-1)
    ignore = (za_gt > FILTER_DEPTH) | (zb_gt > FILTER_DEPTH)
    f1 = za_gt / zb_gt
    f2 = zb_gt / za_gt
    target2 = jnp.where(f1 > 1.0 + THETA, 1.0,
                        jnp.where(f2 > 1.0 + THETA, -1.0, 0.0)).astype(jnp.float32)
    w2 = ignore & (target2 != 0)
    pd2 = za_pr - zb_pr
    loss_global = jnp.sum(jnp.where(w2, jnp.log(1.0 + jnp.exp(-target2 * pd2)), 0.0))
    n2 = jnp.sum(w2)

    total_loss = (loss_global + loss_percent) / (n2 + n1)
    return total_loss

if __name__ == "__main__":
    import jax
    _d = setup_inputs()
    print(jax.jit(kernel)(*tuple(_d.values())))

</pallas_src>

<mosaic_0001>
#map = affine_map<(d0, d1) -> (0)>
module attributes {stable_mosaic.version = 14 : i64} {
  func.func @_sc_body(%arg0: i32, %arg1: i32, %arg2: memref<1048576xi32, #tpu.memory_space<hbm>>, %arg3: memref<212992xi32, #tpu.memory_space<hbm>>, %arg4: memref<106496xi32, #tpu.memory_space<hbm>>, %arg5: memref<106496xi32, #tpu.memory_space<hbm>>, %arg6: memref<1048576xf32, #tpu.memory_space<hbm>>, %arg7: memref<1048576xf32, #tpu.memory_space<hbm>>, %arg8: memref<212992xf32, #tpu.memory_space<hbm>>, %arg9: memref<212992xf32, #tpu.memory_space<hbm>>, %arg10: memref<212992xf32, #tpu.memory_space<hbm>>, %arg11: memref<212992xf32, #tpu.memory_space<hbm>>, %arg12: memref<106496xf32, #tpu.memory_space<hbm>>, %arg13: memref<106496xf32, #tpu.memory_space<hbm>>, %arg14: memref<106496xf32, #tpu.memory_space<hbm>>, %arg15: memref<106496xf32, #tpu.memory_space<hbm>>, %arg16: memref<16384xi32, #tpu.memory_space<vmem>>, %arg17: memref<16384xf32, #tpu.memory_space<vmem>>, %arg18: memref<16384xf32, #tpu.memory_space<vmem>>, %arg19: memref<3328xi32, #tpu.memory_space<vmem>>, %arg20: memref<1664xi32, #tpu.memory_space<vmem>>, %arg21: memref<1664xi32, #tpu.memory_space<vmem>>, %arg22: memref<3328xf32, #tpu.memory_space<vmem>>, %arg23: memref<3328xf32, #tpu.memory_space<vmem>>, %arg24: memref<1664xf32, #tpu.memory_space<vmem>>, %arg25: memref<1664xf32, #tpu.memory_space<vmem>>, %arg26: memref<1664xf32, #tpu.memory_space<vmem>>, %arg27: memref<1664xf32, #tpu.memory_space<vmem>>, %arg28: memref<262144xf32, #tpu.memory_space<vmem_shared>>, %arg29: memref<262144xf32, #tpu.memory_space<vmem_shared>>, %arg30: memref<!tpu.dma_semaphore, #tpu.memory_space<semaphore_mem>>, %arg31: memref<!tpu.dma_semaphore, #tpu.memory_space<semaphore_mem>>) attributes {dimension_semantics = [#tpu.dimension_semantics<core_parallel>, #tpu.dimension_semantics<subcore_parallel>], iteration_bounds = array<i64: 2, 16>, scalar_prefetch = 0 : i64, scratch_operands = 16 : i64, tpu.core_type = #tpu.core_type<sc_vector_subcore>, window_params = [{transform_indices = #map}, {transform_indices = #map}, {transform_indices = #map}, {transform_indices = #map}, {transform_indices = #map}, {transform_indices = #map}, {transform_indices = #map}, {transform_indices = #map}, {transform_indices = #map}, {transform_indices = #map}, {transform_indices = #map}, {transform_indices = #map}, {transform_indices = #map}, {transform_indices = #map}]} {
    %mul3A = arith.constant 16384 : i32
    %mul3A_0 = arith.muli %arg1, %mul3A : i32
    %mul3A_1 = arith.constant 2 : i32
    %mul3A_2 = arith.muli %arg0, %mul3A_1 : i32
    %add3A = arith.constant 0 : i32
    %add3A_3 = arith.addi %mul3A_2, %add3A : i32
    %mul3A_4 = arith.constant 262144 : i32
    %mul3A_5 = arith.muli %add3A_3, %mul3A_4 : i32
    %add3A_6 = arith.addi %mul3A_5, %mul3A_0 : i32
    %mul3A_7 = arith.constant 16 : i32
    %mul3A_8 = arith.muli %add3A_3, %mul3A_7 : i32
    %add3A_9 = arith.addi %mul3A_8, %arg1 : i32
    %mul3A_10 = arith.constant 1664 : i32
    %mul3A_11 = arith.muli %add3A_9, %mul3A_10 : i32
    %mul3A_12 = arith.constant 16 : i32
    %mul3A_13 = arith.muli %add3A_3, %mul3A_12 : i32
    %add3A_14 = arith.addi %mul3A_13, %arg1 : i32
    %mul3A_15 = arith.constant 3328 : i32
    %mul3A_16 = arith.muli %add3A_14, %mul3A_15 : i32
    "tpu.region"() ({
      %run_scoped3A = tpu.sem_alloc : memref<!tpu.dma_semaphore, #tpu.memory_space<semaphore_mem>>
      %dma_start3A_103 = tpu.memref_slice %arg4[%mul3A_11] : memref<106496xi32, #tpu.memory_space<hbm>> -> memref<1664xi32, #tpu.memory_space<hbm>>
      %dma_start3A_104 = tpu.memref_slice %arg4[%mul3A_11] : memref<106496xi32, #tpu.memory_space<hbm>> -> memref<1664xi32, #tpu.memory_space<hbm>>
      tpu.enqueue_dma source(%dma_start3A_104 : memref<1664xi32, #tpu.memory_space<hbm>>) target(%arg20 : memref<1664xi32, #tpu.memory_space<vmem>>) target_semaphore(%run_scoped3A : memref<!tpu.dma_semaphore, #tpu.memory_space<semaphore_mem>>)
      %dma_wait3A_105 = tpu.memref_slice %arg4[%mul3A_11] : memref<106496xi32, #tpu.memory_space<hbm>> -> memref<1664xi32, #tpu.memory_space<hbm>>
      %dma_wait3A_106 = tpu.memref_slice %arg4[%mul3A_11] : memref<106496xi32, #tpu.memory_space<hbm>> -> memref<1664xi32, #tpu.memory_space<hbm>>
      tpu.wait_dma2 semaphore(%run_scoped3A : memref<!tpu.dma_semaphore, #tpu.memory_space<semaphore_mem>>) src(%dma_wait3A_106 : memref<1664xi32, #tpu.memory_space<hbm>>) dst(%arg20 : memref<1664xi32, #tpu.memory_space<vmem>>)
      tpu.yield
    }) : () -> ()
    "tpu.region"() ({
      %run_scoped3A = tpu.sem_alloc : memref<!tpu.dma_semaphore, #tpu.memory_space<semaphore_mem>>
      %dma_start3A_103 = tpu.memref_slice %arg5[%mul3A_11] : memref<106496xi32, #tpu.memory_space<hbm>> -> memref<1664xi32, #tpu.memory_space<hbm>>
      %dma_start3A_104 = tpu.memref_slice %arg5[%mul3A_11] : memref<106496xi32, #tpu.memory_space<hbm>> -> memref<1664xi32, #tpu.memory_space<hbm>>
      tpu.enqueue_dma source(%dma_start3A_104 : memref<1664xi32, #tpu.memory_space<hbm>>) target(%arg21 : memref<1664xi32, #tpu.memory_space<vmem>>) target_semaphore(%run_scoped3A : memref<!tpu.dma_semaphore, #tpu.memory_space<semaphore_mem>>)
      %dma_wait3A_105 = tpu.memref_slice %arg5[%mul3A_11] : memref<106496xi32, #tpu.memory_space<hbm>> -> memref<1664xi32, #tpu.memory_space<hbm>>
      %dma_wait3A_106 = tpu.memref_slice %arg5[%mul3A_11] : memref<106496xi32, #tpu.memory_space<hbm>> -> memref<1664xi32, #tpu.memory_space<hbm>>
      tpu.wait_dma2 semaphore(%run_scoped3A : memref<!tpu.dma_semaphore, #tpu.memory_space<semaphore_mem>>) src(%dma_wait3A_106 : memref<1664xi32, #tpu.memory_space<hbm>>) dst(%arg21 : memref<1664xi32, #tpu.memory_space<vmem>>)
      tpu.yield
    }) : () -> ()
    %dma_start3A = arith.constant 0 : i32
    %dma_start3A_17 = tpu.memref_slice %arg6[%dma_start3A] : memref<1048576xf32, #tpu.memory_space<hbm>> -> memref<1048576xf32, #tpu.memory_space<hbm>>
    tpu.enqueue_indirect_dma source(%dma_start3A_17 : memref<1048576xf32, #tpu.memory_space<hbm>>) target(%arg24 : memref<1664xf32, #tpu.memory_space<vmem>>) offsets(%arg20 : memref<1664xi32, #tpu.memory_space<vmem>>) semaphore(%arg31 : memref<!tpu.dma_semaphore, #tpu.memory_space<semaphore_mem>>)
    %dma_start3A_18 = arith.constant 0 : i32
    %dma_start3A_19 = tpu.memref_slice %arg6[%dma_start3A_18] : memref<1048576xf32, #tpu.memory_space<hbm>> -> memref<1048576xf32, #tpu.memory_space<hbm>>
    tpu.enqueue_indirect_dma source(%dma_start3A_19 : memref<1048576xf32, #tpu.memory_space<hbm>>) target(%arg25 : memref<1664xf32, #tpu.memory_space<vmem>>) offsets(%arg21 : memref<1664xi32, #tpu.memory_space<vmem>>) semaphore(%arg31 : memref<!tpu.dma_semaphore, #tpu.memory_space<semaphore_mem>>)
    %dma_start3A_20 = arith.constant 0 : i32
    %dma_start3A_21 = tpu.memref_slice %arg7[%dma_start3A_20] : memref<1048576xf32, #tpu.memory_space<hbm>> -> memref<1048576xf32, #tpu.memory_space<hbm>>
    tpu.enqueue_indirect_dma source(%dma_start3A_21 : memref<1048576xf32, #tpu.memory_space<hbm>>) target(%arg26 : memref<1664xf32, #tpu.memory_space<vmem>>) offsets(%arg20 : memref<1664xi32, #tpu.memory_space<vmem>>) semaphore(%arg31 : memref<!tpu.dma_semaphore, #tpu.memory_space<semaphore_mem>>)
    %dma_start3A_22 = arith.constant 0 : i32
    %dma_start3A_23 = tpu.memref_slice %arg7[%dma_start3A_22] : memref<1048576xf32, #tpu.memory_space<hbm>> -> memref<1048576xf32, #tpu.memory_space<hbm>>
    tpu.enqueue_indirect_dma source(%dma_start3A_23 : memref<1048576xf32, #tpu.memory_space<hbm>>) target(%arg27 : memref<1664xf32, #tpu.memory_space<vmem>>) offsets(%arg21 : memref<1664xi32, #tpu.memory_space<vmem>>) semaphore(%arg31 : memref<!tpu.dma_semaphore, #tpu.memory_space<semaphore_mem>>)
    "tpu.region"() ({
      %run_scoped3A = tpu.sem_alloc : memref<!tpu.dma_semaphore, #tpu.memory_space<semaphore_mem>>
      %dma_start3A_103 = tpu.memref_slice %arg2[%add3A_6] : memref<1048576xi32, #tpu.memory_space<hbm>> -> memref<16384xi32, #tpu.memory_space<hbm>>
      %dma_start3A_104 = tpu.memref_slice %arg2[%add3A_6] : memref<1048576xi32, #tpu.memory_space<hbm>> -> memref<16384xi32, #tpu.memory_space<hbm>>
      tpu.enqueue_dma source(%dma_start3A_104 : memref<16384xi32, #tpu.memory_space<hbm>>) target(%arg16 : memref<16384xi32, #tpu.memory_space<vmem>>) target_semaphore(%run_scoped3A : memref<!tpu.dma_semaphore, #tpu.memory_space<semaphore_mem>>)
      %dma_wait3A_105 = tpu.memref_slice %arg2[%add3A_6] : memref<1048576xi32, #tpu.memory_space<hbm>> -> memref<16384xi32, #tpu.memory_space<hbm>>
      %dma_wait3A_106 = tpu.memref_slice %arg2[%add3A_6] : memref<1048576xi32, #tpu.memory_space<hbm>> -> memref<16384xi32, #tpu.memory_space<hbm>>
      tpu.wait_dma2 semaphore(%run_scoped3A : memref<!tpu.dma_semaphore, #tpu.memory_space<semaphore_mem>>) src(%dma_wait3A_106 : memref<16384xi32, #tpu.memory_space<hbm>>) dst(%arg16 : memref<16384xi32, #tpu.memory_space<vmem>>)
      tpu.yield
    }) : () -> ()
    "tpu.region"() ({
      %run_scoped3A = tpu.sem_alloc : memref<!tpu.dma_semaphore, #tpu.memory_space<semaphore_mem>>
      %dma_start3A_103 = tpu.memref_slice %arg6[%add3A_6] : memref<1048576xf32, #tpu.memory_space<hbm>> -> memref<16384xf32, #tpu.memory_space<hbm>>
      %dma_start3A_104 = tpu.memref_slice %arg6[%add3A_6] : memref<1048576xf32, #tpu.memory_space<hbm>> -> memref<16384xf32, #tpu.memory_space<hbm>>
      tpu.enqueue_dma source(%dma_start3A_104 : memref<16384xf32, #tpu.memory_space<hbm>>) target(%arg17 : memref<16384xf32, #tpu.memory_space<vmem>>) target_semaphore(%run_scoped3A : memref<!tpu.dma_semaphore, #tpu.memory_space<semaphore_mem>>)
      %dma_wait3A_105 = tpu.memref_slice %arg6[%add3A_6] : memref<1048576xf32, #tpu.memory_space<hbm>> -> memref<16384xf32, #tpu.memory_space<hbm>>
      %dma_wait3A_106 = tpu.memref_slice %arg6[%add3A_6] : memref<1048576xf32, #tpu.memory_space<hbm>> -> memref<16384xf32, #tpu.memory_space<hbm>>
      tpu.wait_dma2 semaphore(%run_scoped3A : memref<!tpu.dma_semaphore, #tpu.memory_space<semaphore_mem>>) src(%dma_wait3A_106 : memref<16384xf32, #tpu.memory_space<hbm>>) dst(%arg17 : memref<16384xf32, #tpu.memory_space<vmem>>)
      tpu.yield
    }) : () -> ()
    "tpu.region"() ({
      %run_scoped3A = tpu.sem_alloc : memref<!tpu.dma_semaphore, #tpu.memory_space<semaphore_mem>>
      %dma_start3A_103 = tpu.memref_slice %arg7[%add3A_6] : memref<1048576xf32, #tpu.memory_space<hbm>> -> memref<16384xf32, #tpu.memory_space<hbm>>
      %dma_start3A_104 = tpu.memref_slice %arg7[%add3A_6] : memref<1048576xf32, #tpu.memory_space<hbm>> -> memref<16384xf32, #tpu.memory_space<hbm>>
      tpu.enqueue_dma source(%dma_start3A_104 : memref<16384xf32, #tpu.memory_space<hbm>>) target(%arg18 : memref<16384xf32, #tpu.memory_space<vmem>>) target_semaphore(%run_scoped3A : memref<!tpu.dma_semaphore, #tpu.memory_space<semaphore_mem>>)
      %dma_wait3A_105 = tpu.memref_slice %arg7[%add3A_6] : memref<1048576xf32, #tpu.memory_space<hbm>> -> memref<16384xf32, #tpu.memory_space<hbm>>
      %dma_wait3A_106 = tpu.memref_slice %arg7[%add3A_6] : memref<1048576xf32, #tpu.memory_space<hbm>> -> memref<16384xf32, #tpu.memory_space<hbm>>
      tpu.wait_dma2 semaphore(%run_scoped3A : memref<!tpu.dma_semaphore, #tpu.memory_space<semaphore_mem>>) src(%dma_wait3A_106 : memref<16384xf32, #tpu.memory_space<hbm>>) dst(%arg18 : memref<16384xf32, #tpu.memory_space<vmem>>)
      tpu.yield
    }) : () -> ()
    %dma_start3A_24 = arith.constant 0 : i32
    %dma_start3A_25 = tpu.memref_slice %arg28[%dma_start3A_24] : memref<262144xf32, #tpu.memory_space<vmem_shared>> -> memref<262144xf32, #tpu.memory_space<vmem_shared>>
    tpu.enqueue_indirect_dma source(%arg17 : memref<16384xf32, #tpu.memory_space<vmem>>) target(%dma_start3A_25 : memref<262144xf32, #tpu.memory_space<vmem_shared>>) offsets(%arg16 : memref<16384xi32, #tpu.memory_space<vmem>>) semaphore(%arg30 : memref<!tpu.dma_semaphore, #tpu.memory_space<semaphore_mem>>)
    %dma_start3A_26 = arith.constant 0 : i32
    %dma_start3A_27 = tpu.memref_slice %arg29[%dma_start3A_26] : memref<262144xf32, #tpu.memory_space<vmem_shared>> -> memref<262144xf32, #tpu.memory_space<vmem_shared>>
    tpu.enqueue_indirect_dma source(%arg18 : memref<16384xf32, #tpu.memory_space<vmem>>) target(%dma_start3A_27 : memref<262144xf32, #tpu.memory_space<vmem_shared>>) offsets(%arg16 : memref<16384xi32, #tpu.memory_space<vmem>>) semaphore(%arg30 : memref<!tpu.dma_semaphore, #tpu.memory_space<semaphore_mem>>)
    %dma_wait3A = arith.constant 0 : i32
    %dma_wait3A_28 = tpu.memref_slice %arg28[%dma_wait3A] : memref<262144xf32, #tpu.memory_space<vmem_shared>> -> memref<262144xf32, #tpu.memory_space<vmem_shared>>
    tpu.wait_indirect_dma semaphore(%arg30 : memref<!tpu.dma_semaphore, #tpu.memory_space<semaphore_mem>>) src(%arg17 : memref<16384xf32, #tpu.memory_space<vmem>>) dst(%dma_wait3A_28 : memref<262144xf32, #tpu.memory_space<vmem_shared>>)
    %dma_wait3A_29 = arith.constant 0 : i32
    %dma_wait3A_30 = tpu.memref_slice %arg29[%dma_wait3A_29] : memref<262144xf32, #tpu.memory_space<vmem_shared>> -> memref<262144xf32, #tpu.memory_space<vmem_shared>>
    tpu.wait_indirect_dma semaphore(%arg30 : memref<!tpu.dma_semaphore, #tpu.memory_space<semaphore_mem>>) src(%arg18 : memref<16384xf32, #tpu.memory_space<vmem>>) dst(%dma_wait3A_30 : memref<262144xf32, #tpu.memory_space<vmem_shared>>)
    %dma_wait3A_31 = arith.constant 0 : i32
    %dma_wait3A_32 = tpu.memref_slice %arg6[%dma_wait3A_31] : memref<1048576xf32, #tpu.memory_space<hbm>> -> memref<1048576xf32, #tpu.memory_space<hbm>>
    tpu.wait_indirect_dma semaphore(%arg31 : memref<!tpu.dma_semaphore, #tpu.memory_space<semaphore_mem>>) src(%dma_wait3A_32 : memref<1048576xf32, #tpu.memory_space<hbm>>) dst(%arg24 : memref<1664xf32, #tpu.memory_space<vmem>>)
    %dma_wait3A_33 = arith.constant 0 : i32
    %dma_wait3A_34 = tpu.memref_slice %arg6[%dma_wait3A_33] : memref<1048576xf32, #tpu.memory_space<hbm>> -> memref<1048576xf32, #tpu.memory_space<hbm>>
    tpu.wait_indirect_dma semaphore(%arg31 : memref<!tpu.dma_semaphore, #tpu.memory_space<semaphore_mem>>) src(%dma_wait3A_34 : memref<1048576xf32, #tpu.memory_space<hbm>>) dst(%arg25 : memref<1664xf32, #tpu.memory_space<vmem>>)
    %dma_wait3A_35 = arith.constant 0 : i32
    %dma_wait3A_36 = tpu.memref_slice %arg7[%dma_wait3A_35] : memref<1048576xf32, #tpu.memory_space<hbm>> -> memref<1048576xf32, #tpu.memory_space<hbm>>
    tpu.wait_indirect_dma semaphore(%arg31 : memref<!tpu.dma_semaphore, #tpu.memory_space<semaphore_mem>>) src(%dma_wait3A_36 : memref<1048576xf32, #tpu.memory_space<hbm>>) dst(%arg26 : memref<1664xf32, #tpu.memory_space<vmem>>)
    %dma_wait3A_37 = arith.constant 0 : i32
    %dma_wait3A_38 = tpu.memref_slice %arg7[%dma_wait3A_37] : memref<1048576xf32, #tpu.memory_space<hbm>> -> memref<1048576xf32, #tpu.memory_space<hbm>>
    tpu.wait_indirect_dma semaphore(%arg31 : memref<!tpu.dma_semaphore, #tpu.memory_space<semaphore_mem>>) src(%dma_wait3A_38 : memref<1048576xf32, #tpu.memory_space<hbm>>) dst(%arg27 : memref<1664xf32, #tpu.memory_space<vmem>>)
    "tpu.region"() ({
      %run_scoped3A = tpu.sem_alloc : memref<!tpu.dma_semaphore, #tpu.memory_space<semaphore_mem>>
      %dma_start3A_103 = tpu.memref_slice %arg12[%mul3A_11] : memref<106496xf32, #tpu.memory_space<hbm>> -> memref<1664xf32, #tpu.memory_space<hbm>>
      %dma_start3A_104 = tpu.memref_slice %arg12[%mul3A_11] : memref<106496xf32, #tpu.memory_space<hbm>> -> memref<1664xf32, #tpu.memory_space<hbm>>
      tpu.enqueue_dma source(%arg24 : memref<1664xf32, #tpu.memory_space<vmem>>) target(%dma_start3A_104 : memref<1664xf32, #tpu.memory_space<hbm>>) target_semaphore(%run_scoped3A : memref<!tpu.dma_semaphore, #tpu.memory_space<semaphore_mem>>)
      %dma_wait3A_105 = tpu.memref_slice %arg12[%mul3A_11] : memref<106496xf32, #tpu.memory_space<hbm>> -> memref<1664xf32, #tpu.memory_space<hbm>>
      %dma_wait3A_106 = tpu.memref_slice %arg12[%mul3A_11] : memref<106496xf32, #tpu.memory_space<hbm>> -> memref<1664xf32, #tpu.memory_space<hbm>>
      tpu.wait_dma2 semaphore(%run_scoped3A : memref<!tpu.dma_semaphore, #tpu.memory_space<semaphore_mem>>) src(%arg24 : memref<1664xf32, #tpu.memory_space<vmem>>) dst(%dma_wait3A_106 : memref<1664xf32, #tpu.memory_space<hbm>>)
      tpu.yield
    }) : () -> ()
    "tpu.region"() ({
      %run_scoped3A = tpu.sem_alloc : memref<!tpu.dma_semaphore, #tpu.memory_space<semaphore_mem>>
      %dma_start3A_103 = tpu.memref_slice %arg13[%mul3A_11] : memref<106496xf32, #tpu.memory_space<hbm>> -> memref<1664xf32, #tpu.memory_space<hbm>>
      %dma_start3A_104 = tpu.memref_slice %arg13[%mul3A_11] : memref<106496xf32, #tpu.memory_space<hbm>> -> memref<1664xf32, #tpu.memory_space<hbm>>
      tpu.enqueue_dma source(%arg25 : memref<1664xf32, #tpu.memory_space<vmem>>) target(%dma_start3A_104 : memref<1664xf32, #tpu.memory_space<hbm>>) target_semaphore(%run_scoped3A : memref<!tpu.dma_semaphore, #tpu.memory_space<semaphore_mem>>)
      %dma_wait3A_105 = tpu.memref_slice %arg13[%mul3A_11] : memref<106496xf32, #tpu.memory_space<hbm>> -> memref<1664xf32, #tpu.memory_space<hbm>>
      %dma_wait3A_106 = tpu.memref_slice %arg13[%mul3A_11] : memref<106496xf32, #tpu.memory_space<hbm>> -> memref<1664xf32, #tpu.memory_space<hbm>>
      tpu.wait_dma2 semaphore(%run_scoped3A : memref<!tpu.dma_semaphore, #tpu.memory_space<semaphore_mem>>) src(%arg25 : memref<1664xf32, #tpu.memory_space<vmem>>) dst(%dma_wait3A_106 : memref<1664xf32, #tpu.memory_space<hbm>>)
      tpu.yield
    }) : () -> ()
    "tpu.region"() ({
      %run_scoped3A = tpu.sem_alloc : memref<!tpu.dma_semaphore, #tpu.memory_space<semaphore_mem>>
      %dma_start3A_103 = tpu.memref_slice %arg14[%mul3A_11] : memref<106496xf32, #tpu.memory_space<hbm>> -> memref<1664xf32, #tpu.memory_space<hbm>>
      %dma_start3A_104 = tpu.memref_slice %arg14[%mul3A_11] : memref<106496xf32, #tpu.memory_space<hbm>> -> memref<1664xf32, #tpu.memory_space<hbm>>
      tpu.enqueue_dma source(%arg26 : memref<1664xf32, #tpu.memory_space<vmem>>) target(%dma_start3A_104 : memref<1664xf32, #tpu.memory_space<hbm>>) target_semaphore(%run_scoped3A : memref<!tpu.dma_semaphore, #tpu.memory_space<semaphore_mem>>)
      %dma_wait3A_105 = tpu.memref_slice %arg14[%mul3A_11] : memref<106496xf32, #tpu.memory_space<hbm>> -> memref<1664xf32, #tpu.memory_space<hbm>>
      %dma_wait3A_106 = tpu.memref_slice %arg14[%mul3A_11] : memref<106496xf32, #tpu.memory_space<hbm>> -> memref<1664xf32, #tpu.memory_space<hbm>>
      tpu.wait_dma2 semaphore(%run_scoped3A : memref<!tpu.dma_semaphore, #tpu.memory_space<semaphore_mem>>) src(%arg26 : memref<1664xf32, #tpu.memory_space<vmem>>) dst(%dma_wait3A_106 : memref<1664xf32, #tpu.memory_space<hbm>>)
      tpu.yield
    }) : () -> ()
    "tpu.region"() ({
      %run_scoped3A = tpu.sem_alloc : memref<!tpu.dma_semaphore, #tpu.memory_space<semaphore_mem>>
      %dma_start3A_103 = tpu.memref_slice %arg15[%mul3A_11] : memref<106496xf32, #tpu.memory_space<hbm>> -> memref<1664xf32, #tpu.memory_space<hbm>>
      %dma_start3A_104 = tpu.memref_slice %arg15[%mul3A_11] : memref<106496xf32, #tpu.memory_space<hbm>> -> memref<1664xf32, #tpu.memory_space<hbm>>
      tpu.enqueue_dma source(%arg27 : memref<1664xf32, #tpu.memory_space<vmem>>) target(%dma_start3A_104 : memref<1664xf32, #tpu.memory_space<hbm>>) target_semaphore(%run_scoped3A : memref<!tpu.dma_semaphore, #tpu.memory_space<semaphore_mem>>)
      %dma_wait3A_105 = tpu.memref_slice %arg15[%mul3A_11] : memref<106496xf32, #tpu.memory_space<hbm>> -> memref<1664xf32, #tpu.memory_space<hbm>>
      %dma_wait3A_106 = tpu.memref_slice %arg15[%mul3A_11] : memref<106496xf32, #tpu.memory_space<hbm>> -> memref<1664xf32, #tpu.memory_space<hbm>>
      tpu.wait_dma2 semaphore(%run_scoped3A : memref<!tpu.dma_semaphore, #tpu.memory_space<semaphore_mem>>) src(%arg27 : memref<1664xf32, #tpu.memory_space<vmem>>) dst(%dma_wait3A_106 : memref<1664xf32, #tpu.memory_space<hbm>>)
      tpu.yield
    }) : () -> ()
    %barrier3A = arith.constant 0 : index
    tpu.barrier barrier_id(%barrier3A)
    %mul3A_39 = arith.constant 3328 : i32
    %mul3A_40 = arith.muli %arg1, %mul3A_39 : i32
    "tpu.region"() ({
      %run_scoped3A = tpu.sem_alloc : memref<!tpu.dma_semaphore, #tpu.memory_space<semaphore_mem>>
      %dma_start3A_103 = tpu.memref_slice %arg8[%mul3A_16] : memref<212992xf32, #tpu.memory_space<hbm>> -> memref<3328xf32, #tpu.memory_space<hbm>>
      %dma_start3A_104 = tpu.memref_slice %arg28[%mul3A_40] : memref<262144xf32, #tpu.memory_space<vmem_shared>> -> memref<3328xf32, #tpu.memory_space<vmem_shared>>
      tpu.enqueue_dma source(%dma_start3A_104 : memref<3328xf32, #tpu.memory_space<vmem_shared>>) target(%dma_start3A_103 : memref<3328xf32, #tpu.memory_space<hbm>>) target_semaphore(%run_scoped3A : memref<!tpu.dma_semaphore, #tpu.memory_space<semaphore_mem>>)
      %dma_wait3A_105 = tpu.memref_slice %arg8[%mul3A_16] : memref<212992xf32, #tpu.memory_space<hbm>> -> memref<3328xf32, #tpu.memory_space<hbm>>
      %dma_wait3A_106 = tpu.memref_slice %arg28[%mul3A_40] : memref<262144xf32, #tpu.memory_space<vmem_shared>> -> memref<3328xf32, #tpu.memory_space<vmem_shared>>
      tpu.wait_dma2 semaphore(%run_scoped3A : memref<!tpu.dma_semaphore, #tpu.memory_space<semaphore_mem>>) src(%dma_wait3A_106 : memref<3328xf32, #tpu.memory_space<vmem_shared>>) dst(%dma_wait3A_105 : memref<3328xf32, #tpu.memory_space<hbm>>)
      tpu.yield
    }) : () -> ()
    "tpu.region"() ({
      %run_scoped3A = tpu.sem_alloc : memref<!tpu.dma_semaphore, #tpu.memory_space<semaphore_mem>>
      %dma_start3A_103 = tpu.memref_slice %arg9[%mul3A_16] : memref<212992xf32, #tpu.memory_space<hbm>> -> memref<3328xf32, #tpu.memory_space<hbm>>
      %dma_start3A_104 = tpu.memref_slice %arg29[%mul3A_40] : memref<262144xf32, #tpu.memory_space<vmem_shared>> -> memref<3328xf32, #tpu.memory_space<vmem_shared>>
      tpu.enqueue_dma source(%dma_start3A_104 : memref<3328xf32, #tpu.memory_space<vmem_shared>>) target(%dma_start3A_103 : memref<3328xf32, #tpu.memory_space<hbm>>) target_semaphore(%run_scoped3A : memref<!tpu.dma_semaphore, #tpu.memory_space<semaphore_mem>>)
      %dma_wait3A_105 = tpu.memref_slice %arg9[%mul3A_16] : memref<212992xf32, #tpu.memory_space<hbm>> -> memref<3328xf32, #tpu.memory_space<hbm>>
      %dma_wait3A_106 = tpu.memref_slice %arg29[%mul3A_40] : memref<262144xf32, #tpu.memory_space<vmem_shared>> -> memref<3328xf32, #tpu.memory_space<vmem_shared>>
      tpu.wait_dma2 semaphore(%run_scoped3A : memref<!tpu.dma_semaphore, #tpu.memory_space<semaphore_mem>>) src(%dma_wait3A_106 : memref<3328xf32, #tpu.memory_space<vmem_shared>>) dst(%dma_wait3A_105 : memref<3328xf32, #tpu.memory_space<hbm>>)
      tpu.yield
    }) : () -> ()
    "tpu.region"() ({
      %run_scoped3A = tpu.sem_alloc : memref<!tpu.dma_semaphore, #tpu.memory_space<semaphore_mem>>
      %dma_start3A_103 = tpu.memref_slice %arg3[%mul3A_16] : memref<212992xi32, #tpu.memory_space<hbm>> -> memref<3328xi32, #tpu.memory_space<hbm>>
      %dma_start3A_104 = tpu.memref_slice %arg3[%mul3A_16] : memref<212992xi32, #tpu.memory_space<hbm>> -> memref<3328xi32, #tpu.memory_space<hbm>>
      tpu.enqueue_dma source(%dma_start3A_104 : memref<3328xi32, #tpu.memory_space<hbm>>) target(%arg19 : memref<3328xi32, #tpu.memory_space<vmem>>) target_semaphore(%run_scoped3A : memref<!tpu.dma_semaphore, #tpu.memory_space<semaphore_mem>>)
      %dma_wait3A_105 = tpu.memref_slice %arg3[%mul3A_16] : memref<212992xi32, #tpu.memory_space<hbm>> -> memref<3328xi32, #tpu.memory_space<hbm>>
      %dma_wait3A_106 = tpu.memref_slice %arg3[%mul3A_16] : memref<212992xi32, #tpu.memory_space<hbm>> -> memref<3328xi32, #tpu.memory_space<hbm>>
      tpu.wait_dma2 semaphore(%run_scoped3A : memref<!tpu.dma_semaphore, #tpu.memory_space<semaphore_mem>>) src(%dma_wait3A_106 : memref<3328xi32, #tpu.memory_space<hbm>>) dst(%arg19 : memref<3328xi32, #tpu.memory_space<vmem>>)
      tpu.yield
    }) : () -> ()
    %dma_start3A_41 = arith.constant 0 : i32
    %dma_start3A_42 = tpu.memref_slice %arg28[%dma_start3A_41] : memref<262144xf32, #tpu.memory_space<vmem_shared>> -> memref<262144xf32, #tpu.memory_space<vmem_shared>>
    tpu.enqueue_indirect_dma source(%dma_start3A_42 : memref<262144xf32, #tpu.memory_space<vmem_shared>>) target(%arg22 : memref<3328xf32, #tpu.memory_space<vmem>>) offsets(%arg19 : memref<3328xi32, #tpu.memory_space<vmem>>) semaphore(%arg30 : memref<!tpu.dma_semaphore, #tpu.memory_space<semaphore_mem>>)
    %dma_start3A_43 = arith.constant 0 : i32
    %dma_start3A_44 = tpu.memref_slice %arg29[%dma_start3A_43] : memref<262144xf32, #tpu.memory_space<vmem_shared>> -> memref<262144xf32, #tpu.memory_space<vmem_shared>>
    tpu.enqueue_indirect_dma source(%dma_start3A_44 : memref<262144xf32, #tpu.memory_space<vmem_shared>>) target(%arg23 : memref<3328xf32, #tpu.memory_space<vmem>>) offsets(%arg19 : memref<3328xi32, #tpu.memory_space<vmem>>) semaphore(%arg30 : memref<!tpu.dma_semaphore, #tpu.memory_space<semaphore_mem>>)
    %dma_wait3A_45 = arith.constant 0 : i32
    %dma_wait3A_46 = tpu.memref_slice %arg28[%dma_wait3A_45] : memref<262144xf32, #tpu.memory_space<vmem_shared>> -> memref<262144xf32, #tpu.memory_space<vmem_shared>>
    tpu.wait_indirect_dma semaphore(%arg30 : memref<!tpu.dma_semaphore, #tpu.memory_space<semaphore_mem>>) src(%dma_wait3A_46 : memref<262144xf32, #tpu.memory_space<vmem_shared>>) dst(%arg22 : memref<3328xf32, #tpu.memory_space<vmem>>)
    %dma_wait3A_47 = arith.constant 0 : i32
    %dma_wait3A_48 = tpu.memref_slice %arg29[%dma_wait3A_47] : memref<262144xf32, #tpu.memory_space<vmem_shared>> -> memref<262144xf32, #tpu.memory_space<vmem_shared>>
    tpu.wait_indirect_dma semaphore(%arg30 : memref<!tpu.dma_semaphore, #tpu.memory_space<semaphore_mem>>) src(%dma_wait3A_48 : memref<262144xf32, #tpu.memory_space<vmem_shared>>) dst(%arg23 : memref<3328xf32, #tpu.memory_space<vmem>>)
    "tpu.region"() ({
      %run_scoped3A = tpu.sem_alloc : memref<!tpu.dma_semaphore, #tpu.memory_space<semaphore_mem>>
      %dma_start3A_103 = tpu.memref_slice %arg10[%mul3A_16] : memref<212992xf32, #tpu.memory_space<hbm>> -> memref<3328xf32, #tpu.memory_space<hbm>>
      %dma_start3A_104 = tpu.memref_slice %arg10[%mul3A_16] : memref<212992xf32, #tpu.memory_space<hbm>> -> memref<3328xf32, #tpu.memory_space<hbm>>
      tpu.enqueue_dma source(%arg22 : memref<3328xf32, #tpu.memory_space<vmem>>) target(%dma_start3A_104 : memref<3328xf32, #tpu.memory_space<hbm>>) target_semaphore(%run_scoped3A : memref<!tpu.dma_semaphore, #tpu.memory_space<semaphore_mem>>)
      %dma_wait3A_105 = tpu.memref_slice %arg10[%mul3A_16] : memref<212992xf32, #tpu.memory_space<hbm>> -> memref<3328xf32, #tpu.memory_space<hbm>>
      %dma_wait3A_106 = tpu.memref_slice %arg10[%mul3A_16] : memref<212992xf32, #tpu.memory_space<hbm>> -> memref<3328xf32, #tpu.memory_space<hbm>>
      tpu.wait_dma2 semaphore(%run_scoped3A : memref<!tpu.dma_semaphore, #tpu.memory_space<semaphore_mem>>) src(%arg22 : memref<3328xf32, #tpu.memory_space<vmem>>) dst(%dma_wait3A_106 : memref<3328xf32, #tpu.memory_space<hbm>>)
      tpu.yield
    }) : () -> ()
    "tpu.region"() ({
      %run_scoped3A = tpu.sem_alloc : memref<!tpu.dma_semaphore, #tpu.memory_space<semaphore_mem>>
      %dma_start3A_103 = tpu.memref_slice %arg11[%mul3A_16] : memref<212992xf32, #tpu.memory_space<hbm>> -> memref<3328xf32, #tpu.memory_space<hbm>>
      %dma_start3A_104 = tpu.memref_slice %arg11[%mul3A_16] : memref<212992xf32, #tpu.memory_space<hbm>> -> memref<3328xf32, #tpu.memory_space<hbm>>
      tpu.enqueue_dma source(%arg23 : memref<3328xf32, #tpu.memory_space<vmem>>) target(%dma_start3A_104 : memref<3328xf32, #tpu.memory_space<hbm>>) target_semaphore(%run_scoped3A : memref<!tpu.dma_semaphore, #tpu.memory_space<semaphore_mem>>)
      %dma_wait3A_105 = tpu.memref_slice %arg11[%mul3A_16] : memref<212992xf32, #tpu.memory_space<hbm>> -> memref<3328xf32, #tpu.memory_space<hbm>>
      %dma_wait3A_106 = tpu.memref_slice %arg11[%mul3A_16] : memref<212992xf32, #tpu.memory_space<hbm>> -> memref<3328xf32, #tpu.memory_space<hbm>>
      tpu.wait_dma2 semaphore(%run_scoped3A : memref<!tpu.dma_semaphore, #tpu.memory_space<semaphore_mem>>) src(%arg23 : memref<3328xf32, #tpu.memory_space<vmem>>) dst(%dma_wait3A_106 : memref<3328xf32, #tpu.memory_space<hbm>>)
      tpu.yield
    }) : () -> ()
    %barrier3A_49 = arith.constant 0 : index
    tpu.barrier barrier_id(%barrier3A_49)
    %mul3A_50 = arith.constant 2 : i32
    %mul3A_51 = arith.muli %arg0, %mul3A_50 : i32
    %add3A_52 = arith.constant 1 : i32
    %add3A_53 = arith.addi %mul3A_51, %add3A_52 : i32
    %mul3A_54 = arith.constant 262144 : i32
    %mul3A_55 = arith.muli %add3A_53, %mul3A_54 : i32
    %add3A_56 = arith.addi %mul3A_55, %mul3A_0 : i32
    %mul3A_57 = arith.constant 16 : i32
    %mul3A_58 = arith.muli %add3A_53, %mul3A_57 : i32
    %add3A_59 = arith.addi %mul3A_58, %arg1 : i32
    %mul3A_60 = arith.constant 1664 : i32
    %mul3A_61 = arith.muli %add3A_59, %mul3A_60 : i32
    %mul3A_62 = arith.constant 16 : i32
    %mul3A_63 = arith.muli %add3A_53, %mul3A_62 : i32
    %add3A_64 = arith.addi %mul3A_63, %arg1 : i32
    %mul3A_65 = arith.constant 3328 : i32
    %mul3A_66 = arith.muli %add3A_64, %mul3A_65 : i32
    "tpu.region"() ({
      %run_scoped3A = tpu.sem_alloc : memref<!tpu.dma_semaphore, #tpu.memory_space<semaphore_mem>>
      %dma_start3A_103 = tpu.memref_slice %arg4[%mul3A_61] : memref<106496xi32, #tpu.memory_space<hbm>> -> memref<1664xi32, #tpu.memory_space<hbm>>
      %dma_start3A_104 = tpu.memref_slice %arg4[%mul3A_61] : memref<106496xi32, #tpu.memory_space<hbm>> -> memref<1664xi32, #tpu.memory_space<hbm>>
      tpu.enqueue_dma source(%dma_start3A_104 : memref<1664xi32, #tpu.memory_space<hbm>>) target(%arg20 : memref<1664xi32, #tpu.memory_space<vmem>>) target_semaphore(%run_scoped3A : memref<!tpu.dma_semaphore, #tpu.memory_space<semaphore_mem>>)
      %dma_wait3A_105 = tpu.memref_slice %arg4[%mul3A_61] : memref<106496xi32, #tpu.memory_space<hbm>> -> memref<1664xi32, #tpu.memory_space<hbm>>
      %dma_wait3A_106 = tpu.memref_slice %arg4[%mul3A_61] : memref<106496xi32, #tpu.memory_space<hbm>> -> memref<1664xi32, #tpu.memory_space<hbm>>
      tpu.wait_dma2 semaphore(%run_scoped3A : memref<!tpu.dma_semaphore, #tpu.memory_space<semaphore_mem>>) src(%dma_wait3A_106 : memref<1664xi32, #tpu.memory_space<hbm>>) dst(%arg20 : memref<1664xi32, #tpu.memory_space<vmem>>)
      tpu.yield
    }) : () -> ()
    "tpu.region"() ({
      %run_scoped3A = tpu.sem_alloc : memref<!tpu.dma_semaphore, #tpu.memory_space<semaphore_mem>>
      %dma_start3A_103 = tpu.memref_slice %arg5[%mul3A_61] : memref<106496xi32, #tpu.memory_space<hbm>> -> memref<1664xi32, #tpu.memory_space<hbm>>
      %dma_start3A_104 = tpu.memref_slice %arg5[%mul3A_61] : memref<106496xi32, #tpu.memory_space<hbm>> -> memref<1664xi32, #tpu.memory_space<hbm>>
      tpu.enqueue_dma source(%dma_start3A_104 : memref<1664xi32, #tpu.memory_space<hbm>>) target(%arg21 : memref<1664xi32, #tpu.memory_space<vmem>>) target_semaphore(%run_scoped3A : memref<!tpu.dma_semaphore, #tpu.memory_space<semaphore_mem>>)
      %dma_wait3A_105 = tpu.memref_slice %arg5[%mul3A_61] : memref<106496xi32, #tpu.memory_space<hbm>> -> memref<1664xi32, #tpu.memory_space<hbm>>
      %dma_wait3A_106 = tpu.memref_slice %arg5[%mul3A_61] : memref<106496xi32, #tpu.memory_space<hbm>> -> memref<1664xi32, #tpu.memory_space<hbm>>
      tpu.wait_dma2 semaphore(%run_scoped3A : memref<!tpu.dma_semaphore, #tpu.memory_space<semaphore_mem>>) src(%dma_wait3A_106 : memref<1664xi32, #tpu.memory_space<hbm>>) dst(%arg21 : memref<1664xi32, #tpu.memory_space<vmem>>)
      tpu.yield
    }) : () -> ()
    %dma_start3A_67 = arith.constant 0 : i32
    %dma_start3A_68 = tpu.memref_slice %arg6[%dma_start3A_67] : memref<1048576xf32, #tpu.memory_space<hbm>> -> memref<1048576xf32, #tpu.memory_space<hbm>>
    tpu.enqueue_indirect_dma source(%dma_start3A_68 : memref<1048576xf32, #tpu.memory_space<hbm>>) target(%arg24 : memref<1664xf32, #tpu.memory_space<vmem>>) offsets(%arg20 : memref<1664xi32, #tpu.memory_space<vmem>>) semaphore(%arg31 : memref<!tpu.dma_semaphore, #tpu.memory_space<semaphore_mem>>)
    %dma_start3A_69 = arith.constant 0 : i32
    %dma_start3A_70 = tpu.memref_slice %arg6[%dma_start3A_69] : memref<1048576xf32, #tpu.memory_space<hbm>> -> memref<1048576xf32, #tpu.memory_space<hbm>>
    tpu.enqueue_indirect_dma source(%dma_start3A_70 : memref<1048576xf32, #tpu.memory_space<hbm>>) target(%arg25 : memref<1664xf32, #tpu.memory_space<vmem>>) offsets(%arg21 : memref<1664xi32, #tpu.memory_space<vmem>>) semaphore(%arg31 : memref<!tpu.dma_semaphore, #tpu.memory_space<semaphore_mem>>)
    %dma_start3A_71 = arith.constant 0 : i32
    %dma_start3A_72 = tpu.memref_slice %arg7[%dma_start3A_71] : memref<1048576xf32, #tpu.memory_space<hbm>> -> memref<1048576xf32, #tpu.memory_space<hbm>>
    tpu.enqueue_indirect_dma source(%dma_start3A_72 : memref<1048576xf32, #tpu.memory_space<hbm>>) target(%arg26 : memref<1664xf32, #tpu.memory_space<vmem>>) offsets(%arg20 : memref<1664xi32, #tpu.memory_space<vmem>>) semaphore(%arg31 : memref<!tpu.dma_semaphore, #tpu.memory_space<semaphore_mem>>)
    %dma_start3A_73 = arith.constant 0 : i32
    %dma_start3A_74 = tpu.memref_slice %arg7[%dma_start3A_73] : memref<1048576xf32, #tpu.memory_space<hbm>> -> memref<1048576xf32, #tpu.memory_space<hbm>>
    tpu.enqueue_indirect_dma source(%dma_start3A_74 : memref<1048576xf32, #tpu.memory_space<hbm>>) target(%arg27 : memref<1664xf32, #tpu.memory_space<vmem>>) offsets(%arg21 : memref<1664xi32, #tpu.memory_space<vmem>>) semaphore(%arg31 : memref<!tpu.dma_semaphore, #tpu.memory_space<semaphore_mem>>)
    "tpu.region"() ({
      %run_scoped3A = tpu.sem_alloc : memref<!tpu.dma_semaphore, #tpu.memory_space<semaphore_mem>>
      %dma_start3A_103 = tpu.memref_slice %arg2[%add3A_56] : memref<1048576xi32, #tpu.memory_space<hbm>> -> memref<16384xi32, #tpu.memory_space<hbm>>
      %dma_start3A_104 = tpu.memref_slice %arg2[%add3A_56] : memref<1048576xi32, #tpu.memory_space<hbm>> -> memref<16384xi32, #tpu.memory_space<hbm>>
      tpu.enqueue_dma source(%dma_start3A_104 : memref<16384xi32, #tpu.memory_space<hbm>>) target(%arg16 : memref<16384xi32, #tpu.memory_space<vmem>>) target_semaphore(%run_scoped3A : memref<!tpu.dma_semaphore, #tpu.memory_space<semaphore_mem>>)
      %dma_wait3A_105 = tpu.memref_slice %arg2[%add3A_56] : memref<1048576xi32, #tpu.memory_space<hbm>> -> memref<16384xi32, #tpu.memory_space<hbm>>
      %dma_wait3A_106 = tpu.memref_slice %arg2[%add3A_56] : memref<1048576xi32, #tpu.memory_space<hbm>> -> memref<16384xi32, #tpu.memory_space<hbm>>
      tpu.wait_dma2 semaphore(%run_scoped3A : memref<!tpu.dma_semaphore, #tpu.memory_space<semaphore_mem>>) src(%dma_wait3A_106 : memref<16384xi32, #tpu.memory_space<hbm>>) dst(%arg16 : memref<16384xi32, #tpu.memory_space<vmem>>)
      tpu.yield
    }) : () -> ()
    "tpu.region"() ({
      %run_scoped3A = tpu.sem_alloc : memref<!tpu.dma_semaphore, #tpu.memory_space<semaphore_mem>>
      %dma_start3A_103 = tpu.memref_slice %arg6[%add3A_56] : memref<1048576xf32, #tpu.memory_space<hbm>> -> memref<16384xf32, #tpu.memory_space<hbm>>
      %dma_start3A_104 = tpu.memref_slice %arg6[%add3A_56] : memref<1048576xf32, #tpu.memory_space<hbm>> -> memref<16384xf32, #tpu.memory_space<hbm>>
      tpu.enqueue_dma source(%dma_start3A_104 : memref<16384xf32, #tpu.memory_space<hbm>>) target(%arg17 : memref<16384xf32, #tpu.memory_space<vmem>>) target_semaphore(%run_scoped3A : memref<!tpu.dma_semaphore, #tpu.memory_space<semaphore_mem>>)
      %dma_wait3A_105 = tpu.memref_slice %arg6[%add3A_56] : memref<1048576xf32, #tpu.memory_space<hbm>> -> memref<16384xf32, #tpu.memory_space<hbm>>
      %dma_wait3A_106 = tpu.memref_slice %arg6[%add3A_56] : memref<1048576xf32, #tpu.memory_space<hbm>> -> memref<16384xf32, #tpu.memory_space<hbm>>
      tpu.wait_dma2 semaphore(%run_scoped3A : memref<!tpu.dma_semaphore, #tpu.memory_space<semaphore_mem>>) src(%dma_wait3A_106 : memref<16384xf32, #tpu.memory_space<hbm>>) dst(%arg17 : memref<16384xf32, #tpu.memory_space<vmem>>)
      tpu.yield
    }) : () -> ()
    "tpu.region"() ({
      %run_scoped3A = tpu.sem_alloc : memref<!tpu.dma_semaphore, #tpu.memory_space<semaphore_mem>>
      %dma_start3A_103 = tpu.memref_slice %arg7[%add3A_56] : memref<1048576xf32, #tpu.memory_space<hbm>> -> memref<16384xf32, #tpu.memory_space<hbm>>
      %dma_start3A_104 = tpu.memref_slice %arg7[%add3A_56] : memref<1048576xf32, #tpu.memory_space<hbm>> -> memref<16384xf32, #tpu.memory_space<hbm>>
      tpu.enqueue_dma source(%dma_start3A_104 : memref<16384xf32, #tpu.memory_space<hbm>>) target(%arg18 : memref<16384xf32, #tpu.memory_space<vmem>>) target_semaphore(%run_scoped3A : memref<!tpu.dma_semaphore, #tpu.memory_space<semaphore_mem>>)
      %dma_wait3A_105 = tpu.memref_slice %arg7[%add3A_56] : memref<1048576xf32, #tpu.memory_space<hbm>> -> memref<16384xf32, #tpu.memory_space<hbm>>
      %dma_wait3A_106 = tpu.memref_slice %arg7[%add3A_56] : memref<1048576xf32, #tpu.memory_space<hbm>> -> memref<16384xf32, #tpu.memory_space<hbm>>
      tpu.wait_dma2 semaphore(%run_scoped3A : memref<!tpu.dma_semaphore, #tpu.memory_space<semaphore_mem>>) src(%dma_wait3A_106 : memref<16384xf32, #tpu.memory_space<hbm>>) dst(%arg18 : memref<16384xf32, #tpu.memory_space<vmem>>)
      tpu.yield
    }) : () -> ()
    %dma_start3A_75 = arith.constant 0 : i32
    %dma_start3A_76 = tpu.memref_slice %arg28[%dma_start3A_75] : memref<262144xf32, #tpu.memory_space<vmem_shared>> -> memref<262144xf32, #tpu.memory_space<vmem_shared>>
    tpu.enqueue_indirect_dma source(%arg17 : memref<16384xf32, #tpu.memory_space<vmem>>) target(%dma_start3A_76 : memref<262144xf32, #tpu.memory_space<vmem_shared>>) offsets(%arg16 : memref<16384xi32, #tpu.memory_space<vmem>>) semaphore(%arg30 : memref<!tpu.dma_semaphore, #tpu.memory_space<semaphore_mem>>)
    %dma_start3A_77 = arith.constant 0 : i32
    %dma_start3A_78 = tpu.memref_slice %arg29[%dma_start3A_77] : memref<262144xf32, #tpu.memory_space<vmem_shared>> -> memref<262144xf32, #tpu.memory_space<vmem_shared>>
    tpu.enqueue_indirect_dma source(%arg18 : memref<16384xf32, #tpu.memory_space<vmem>>) target(%dma_start3A_78 : memref<262144xf32, #tpu.memory_space<vmem_shared>>) offsets(%arg16 : memref<16384xi32, #tpu.memory_space<vmem>>) semaphore(%arg30 : memref<!tpu.dma_semaphore, #tpu.memory_space<semaphore_mem>>)
    %dma_wait3A_79 = arith.constant 0 : i32
    %dma_wait3A_80 = tpu.memref_slice %arg28[%dma_wait3A_79] : memref<262144xf32, #tpu.memory_space<vmem_shared>> -> memref<262144xf32, #tpu.memory_space<vmem_shared>>
    tpu.wait_indirect_dma semaphore(%arg30 : memref<!tpu.dma_semaphore, #tpu.memory_space<semaphore_mem>>) src(%arg17 : memref<16384xf32, #tpu.memory_space<vmem>>) dst(%dma_wait3A_80 : memref<262144xf32, #tpu.memory_space<vmem_shared>>)
    %dma_wait3A_81 = arith.constant 0 : i32
    %dma_wait3A_82 = tpu.memref_slice %arg29[%dma_wait3A_81] : memref<262144xf32, #tpu.memory_space<vmem_shared>> -> memref<262144xf32, #tpu.memory_space<vmem_shared>>
    tpu.wait_indirect_dma semaphore(%arg30 : memref<!tpu.dma_semaphore, #tpu.memory_space<semaphore_mem>>) src(%arg18 : memref<16384xf32, #tpu.memory_space<vmem>>) dst(%dma_wait3A_82 : memref<262144xf32, #tpu.memory_space<vmem_shared>>)
    %dma_wait3A_83 = arith.constant 0 : i32
    %dma_wait3A_84 = tpu.memref_slice %arg6[%dma_wait3A_83] : memref<1048576xf32, #tpu.memory_space<hbm>> -> memref<1048576xf32, #tpu.memory_space<hbm>>
    tpu.wait_indirect_dma semaphore(%arg31 : memref<!tpu.dma_semaphore, #tpu.memory_space<semaphore_mem>>) src(%dma_wait3A_84 : memref<1048576xf32, #tpu.memory_space<hbm>>) dst(%arg24 : memref<1664xf32, #tpu.memory_space<vmem>>)
    %dma_wait3A_85 = arith.constant 0 : i32
    %dma_wait3A_86 = tpu.memref_slice %arg6[%dma_wait3A_85] : memref<1048576xf32, #tpu.memory_space<hbm>> -> memref<1048576xf32, #tpu.memory_space<hbm>>
    tpu.wait_indirect_dma semaphore(%arg31 : memref<!tpu.dma_semaphore, #tpu.memory_space<semaphore_mem>>) src(%dma_wait3A_86 : memref<1048576xf32, #tpu.memory_space<hbm>>) dst(%arg25 : memref<1664xf32, #tpu.memory_space<vmem>>)
    %dma_wait3A_87 = arith.constant 0 : i32
    %dma_wait3A_88 = tpu.memref_slice %arg7[%dma_wait3A_87] : memref<1048576xf32, #tpu.memory_space<hbm>> -> memref<1048576xf32, #tpu.memory_space<hbm>>
    tpu.wait_indirect_dma semaphore(%arg31 : memref<!tpu.dma_semaphore, #tpu.memory_space<semaphore_mem>>) src(%dma_wait3A_88 : memref<1048576xf32, #tpu.memory_space<hbm>>) dst(%arg26 : memref<1664xf32, #tpu.memory_space<vmem>>)
    %dma_wait3A_89 = arith.constant 0 : i32
    %dma_wait3A_90 = tpu.memref_slice %arg7[%dma_wait3A_89] : memref<1048576xf32, #tpu.memory_space<hbm>> -> memref<1048576xf32, #tpu.memory_space<hbm>>
    tpu.wait_indirect_dma semaphore(%arg31 : memref<!tpu.dma_semaphore, #tpu.memory_space<semaphore_mem>>) src(%dma_wait3A_90 : memref<1048576xf32, #tpu.memory_space<hbm>>) dst(%arg27 : memref<1664xf32, #tpu.memory_space<vmem>>)
    "tpu.region"() ({
      %run_scoped3A = tpu.sem_alloc : memref<!tpu.dma_semaphore, #tpu.memory_space<semaphore_mem>>
      %dma_start3A_103 = tpu.memref_slice %arg12[%mul3A_61] : memref<106496xf32, #tpu.memory_space<hbm>> -> memref<1664xf32, #tpu.memory_space<hbm>>
      %dma_start3A_104 = tpu.memref_slice %arg12[%mul3A_61] : memref<106496xf32, #tpu.memory_space<hbm>> -> memref<1664xf32, #tpu.memory_space<hbm>>
      tpu.enqueue_dma source(%arg24 : memref<1664xf32, #tpu.memory_space<vmem>>) target(%dma_start3A_104 : memref<1664xf32, #tpu.memory_space<hbm>>) target_semaphore(%run_scoped3A : memref<!tpu.dma_semaphore, #tpu.memory_space<semaphore_mem>>)
      %dma_wait3A_105 = tpu.memref_slice %arg12[%mul3A_61] : memref<106496xf32, #tpu.memory_space<hbm>> -> memref<1664xf32, #tpu.memory_space<hbm>>
      %dma_wait3A_106 = tpu.memref_slice %arg12[%mul3A_61] : memref<106496xf32, #tpu.memory_space<hbm>> -> memref<1664xf32, #tpu.memory_space<hbm>>
      tpu.wait_dma2 semaphore(%run_scoped3A : memref<!tpu.dma_semaphore, #tpu.memory_space<semaphore_mem>>) src(%arg24 : memref<1664xf32, #tpu.memory_space<vmem>>) dst(%dma_wait3A_106 : memref<1664xf32, #tpu.memory_space<hbm>>)
      tpu.yield
    }) : () -> ()
    "tpu.region"() ({
      %run_scoped3A = tpu.sem_alloc : memref<!tpu.dma_semaphore, #tpu.memory_space<semaphore_mem>>
      %dma_start3A_103 = tpu.memref_slice %arg13[%mul3A_61] : memref<106496xf32, #tpu.memory_space<hbm>> -> memref<1664xf32, #tpu.memory_space<hbm>>
      %dma_start3A_104 = tpu.memref_slice %arg13[%mul3A_61] : memref<106496xf32, #tpu.memory_space<hbm>> -> memref<1664xf32, #tpu.memory_space<hbm>>
      tpu.enqueue_dma source(%arg25 : memref<1664xf32, #tpu.memory_space<vmem>>) target(%dma_start3A_104 : memref<1664xf32, #tpu.memory_space<hbm>>) target_semaphore(%run_scoped3A : memref<!tpu.dma_semaphore, #tpu.memory_space<semaphore_mem>>)
      %dma_wait3A_105 = tpu.memref_slice %arg13[%mul3A_61] : memref<106496xf32, #tpu.memory_space<hbm>> -> memref<1664xf32, #tpu.memory_space<hbm>>
      %dma_wait3A_106 = tpu.memref_slice %arg13[%mul3A_61] : memref<106496xf32, #tpu.memory_space<hbm>> -> memref<1664xf32, #tpu.memory_space<hbm>>
      tpu.wait_dma2 semaphore(%run_scoped3A : memref<!tpu.dma_semaphore, #tpu.memory_space<semaphore_mem>>) src(%arg25 : memref<1664xf32, #tpu.memory_space<vmem>>) dst(%dma_wait3A_106 : memref<1664xf32, #tpu.memory_space<hbm>>)
      tpu.yield
    }) : () -> ()
    "tpu.region"() ({
      %run_scoped3A = tpu.sem_alloc : memref<!tpu.dma_semaphore, #tpu.memory_space<semaphore_mem>>
      %dma_start3A_103 = tpu.memref_slice %arg14[%mul3A_61] : memref<106496xf32, #tpu.memory_space<hbm>> -> memref<1664xf32, #tpu.memory_space<hbm>>
      %dma_start3A_104 = tpu.memref_slice %arg14[%mul3A_61] : memref<106496xf32, #tpu.memory_space<hbm>> -> memref<1664xf32, #tpu.memory_space<hbm>>
      tpu.enqueue_dma source(%arg26 : memref<1664xf32, #tpu.memory_space<vmem>>) target(%dma_start3A_104 : memref<1664xf32, #tpu.memory_space<hbm>>) target_semaphore(%run_scoped3A : memref<!tpu.dma_semaphore, #tpu.memory_space<semaphore_mem>>)
      %dma_wait3A_105 = tpu.memref_slice %arg14[%mul3A_61] : memref<106496xf32, #tpu.memory_space<hbm>> -> memref<1664xf32, #tpu.memory_space<hbm>>
      %dma_wait3A_106 = tpu.memref_slice %arg14[%mul3A_61] : memref<106496xf32, #tpu.memory_space<hbm>> -> memref<1664xf32, #tpu.memory_space<hbm>>
      tpu.wait_dma2 semaphore(%run_scoped3A : memref<!tpu.dma_semaphore, #tpu.memory_space<semaphore_mem>>) src(%arg26 : memref<1664xf32, #tpu.memory_space<vmem>>) dst(%dma_wait3A_106 : memref<1664xf32, #tpu.memory_space<hbm>>)
      tpu.yield
    }) : () -> ()
    "tpu.region"() ({
      %run_scoped3A = tpu.sem_alloc : memref<!tpu.dma_semaphore, #tpu.memory_space<semaphore_mem>>
      %dma_start3A_103 = tpu.memref_slice %arg15[%mul3A_61] : memref<106496xf32, #tpu.memory_space<hbm>> -> memref<1664xf32, #tpu.memory_space<hbm>>
      %dma_start3A_104 = tpu.memref_slice %arg15[%mul3A_61] : memref<106496xf32, #tpu.memory_space<hbm>> -> memref<1664xf32, #tpu.memory_space<hbm>>
      tpu.enqueue_dma source(%arg27 : memref<1664xf32, #tpu.memory_space<vmem>>) target(%dma_start3A_104 : memref<1664xf32, #tpu.memory_space<hbm>>) target_semaphore(%run_scoped3A : memref<!tpu.dma_semaphore, #tpu.memory_space<semaphore_mem>>)
      %dma_wait3A_105 = tpu.memref_slice %arg15[%mul3A_61] : memref<106496xf32, #tpu.memory_space<hbm>> -> memref<1664xf32, #tpu.memory_space<hbm>>
      %dma_wait3A_106 = tpu.memref_slice %arg15[%mul3A_61] : memref<106496xf32, #tpu.memory_space<hbm>> -> memref<1664xf32, #tpu.memory_space<hbm>>
      tpu.wait_dma2 semaphore(%run_scoped3A : memref<!tpu.dma_semaphore, #tpu.memory_space<semaphore_mem>>) src(%arg27 : memref<1664xf32, #tpu.memory_space<vmem>>) dst(%dma_wait3A_106 : memref<1664xf32, #tpu.memory_space<hbm>>)
      tpu.yield
    }) : () -> ()
    %barrier3A_91 = arith.constant 0 : index
    tpu.barrier barrier_id(%barrier3A_91)
    %mul3A_92 = arith.constant 3328 : i32
    %mul3A_93 = arith.muli %arg1, %mul3A_92 : i32
    "tpu.region"() ({
      %run_scoped3A = tpu.sem_alloc : memref<!tpu.dma_semaphore, #tpu.memory_space<semaphore_mem>>
      %dma_start3A_103 = tpu.memref_slice %arg8[%mul3A_66] : memref<212992xf32, #tpu.memory_space<hbm>> -> memref<3328xf32, #tpu.memory_space<hbm>>
      %dma_start3A_104 = tpu.memref_slice %arg28[%mul3A_93] : memref<262144xf32, #tpu.memory_space<vmem_shared>> -> memref<3328xf32, #tpu.memory_space<vmem_shared>>
      tpu.enqueue_dma source(%dma_start3A_104 : memref<3328xf32, #tpu.memory_space<vmem_shared>>) target(%dma_start3A_103 : memref<3328xf32, #tpu.memory_space<hbm>>) target_semaphore(%run_scoped3A : memref<!tpu.dma_semaphore, #tpu.memory_space<semaphore_mem>>)
      %dma_wait3A_105 = tpu.memref_slice %arg8[%mul3A_66] : memref<212992xf32, #tpu.memory_space<hbm>> -> memref<3328xf32, #tpu.memory_space<hbm>>
      %dma_wait3A_106 = tpu.memref_slice %arg28[%mul3A_93] : memref<262144xf32, #tpu.memory_space<vmem_shared>> -> memref<3328xf32, #tpu.memory_space<vmem_shared>>
      tpu.wait_dma2 semaphore(%run_scoped3A : memref<!tpu.dma_semaphore, #tpu.memory_space<semaphore_mem>>) src(%dma_wait3A_106 : memref<3328xf32, #tpu.memory_space<vmem_shared>>) dst(%dma_wait3A_105 : memref<3328xf32, #tpu.memory_space<hbm>>)
      tpu.yield
    }) : () -> ()
    "tpu.region"() ({
      %run_scoped3A = tpu.sem_alloc : memref<!tpu.dma_semaphore, #tpu.memory_space<semaphore_mem>>
      %dma_start3A_103 = tpu.memref_slice %arg9[%mul3A_66] : memref<212992xf32, #tpu.memory_space<hbm>> -> memref<3328xf32, #tpu.memory_space<hbm>>
      %dma_start3A_104 = tpu.memref_slice %arg29[%mul3A_93] : memref<262144xf32, #tpu.memory_space<vmem_shared>> -> memref<3328xf32, #tpu.memory_space<vmem_shared>>
      tpu.enqueue_dma source(%dma_start3A_104 : memref<3328xf32, #tpu.memory_space<vmem_shared>>) target(%dma_start3A_103 : memref<3328xf32, #tpu.memory_space<hbm>>) target_semaphore(%run_scoped3A : memref<!tpu.dma_semaphore, #tpu.memory_space<semaphore_mem>>)
      %dma_wait3A_105 = tpu.memref_slice %arg9[%mul3A_66] : memref<212992xf32, #tpu.memory_space<hbm>> -> memref<3328xf32, #tpu.memory_space<hbm>>
      %dma_wait3A_106 = tpu.memref_slice %arg29[%mul3A_93] : memref<262144xf32, #tpu.memory_space<vmem_shared>> -> memref<3328xf32, #tpu.memory_space<vmem_shared>>
      tpu.wait_dma2 semaphore(%run_scoped3A : memref<!tpu.dma_semaphore, #tpu.memory_space<semaphore_mem>>) src(%dma_wait3A_106 : memref<3328xf32, #tpu.memory_space<vmem_shared>>) dst(%dma_wait3A_105 : memref<3328xf32, #tpu.memory_space<hbm>>)
      tpu.yield
    }) : () -> ()
    "tpu.region"() ({
      %run_scoped3A = tpu.sem_alloc : memref<!tpu.dma_semaphore, #tpu.memory_space<semaphore_mem>>
      %dma_start3A_103 = tpu.memref_slice %arg3[%mul3A_66] : memref<212992xi32, #tpu.memory_space<hbm>> -> memref<3328xi32, #tpu.memory_space<hbm>>
      %dma_start3A_104 = tpu.memref_slice %arg3[%mul3A_66] : memref<212992xi32, #tpu.memory_space<hbm>> -> memref<3328xi32, #tpu.memory_space<hbm>>
      tpu.enqueue_dma source(%dma_start3A_104 : memref<3328xi32, #tpu.memory_space<hbm>>) target(%arg19 : memref<3328xi32, #tpu.memory_space<vmem>>) target_semaphore(%run_scoped3A : memref<!tpu.dma_semaphore, #tpu.memory_space<semaphore_mem>>)
      %dma_wait3A_105 = tpu.memref_slice %arg3[%mul3A_66] : memref<212992xi32, #tpu.memory_space<hbm>> -> memref<3328xi32, #tpu.memory_space<hbm>>
      %dma_wait3A_106 = tpu.memref_slice %arg3[%mul3A_66] : memref<212992xi32, #tpu.memory_space<hbm>> -> memref<3328xi32, #tpu.memory_space<hbm>>
      tpu.wait_dma2 semaphore(%run_scoped3A : memref<!tpu.dma_semaphore, #tpu.memory_space<semaphore_mem>>) src(%dma_wait3A_106 : memref<3328xi32, #tpu.memory_space<hbm>>) dst(%arg19 : memref<3328xi32, #tpu.memory_space<vmem>>)
      tpu.yield
    }) : () -> ()
    %dma_start3A_94 = arith.constant 0 : i32
    %dma_start3A_95 = tpu.memref_slice %arg28[%dma_start3A_94] : memref<262144xf32, #tpu.memory_space<vmem_shared>> -> memref<262144xf32, #tpu.memory_space<vmem_shared>>
    tpu.enqueue_indirect_dma source(%dma_start3A_95 : memref<262144xf32, #tpu.memory_space<vmem_shared>>) target(%arg22 : memref<3328xf32, #tpu.memory_space<vmem>>) offsets(%arg19 : memref<3328xi32, #tpu.memory_space<vmem>>) semaphore(%arg30 : memref<!tpu.dma_semaphore, #tpu.memory_space<semaphore_mem>>)
    %dma_start3A_96 = arith.constant 0 : i32
    %dma_start3A_97 = tpu.memref_slice %arg29[%dma_start3A_96] : memref<262144xf32, #tpu.memory_space<vmem_shared>> -> memref<262144xf32, #tpu.memory_space<vmem_shared>>
    tpu.enqueue_indirect_dma source(%dma_start3A_97 : memref<262144xf32, #tpu.memory_space<vmem_shared>>) target(%arg23 : memref<3328xf32, #tpu.memory_space<vmem>>) offsets(%arg19 : memref<3328xi32, #tpu.memory_space<vmem>>) semaphore(%arg30 : memref<!tpu.dma_semaphore, #tpu.memory_space<semaphore_mem>>)
    %dma_wait3A_98 = arith.constant 0 : i32
    %dma_wait3A_99 = tpu.memref_slice %arg28[%dma_wait3A_98] : memref<262144xf32, #tpu.memory_space<vmem_shared>> -> memref<262144xf32, #tpu.memory_space<vmem_shared>>
    tpu.wait_indirect_dma semaphore(%arg30 : memref<!tpu.dma_semaphore, #tpu.memory_space<semaphore_mem>>) src(%dma_wait3A_99 : memref<262144xf32, #tpu.memory_space<vmem_shared>>) dst(%arg22 : memref<3328xf32, #tpu.memory_space<vmem>>)
    %dma_wait3A_100 = arith.constant 0 : i32
    %dma_wait3A_101 = tpu.memref_slice %arg29[%dma_wait3A_100] : memref<262144xf32, #tpu.memory_space<vmem_shared>> -> memref<262144xf32, #tpu.memory_space<vmem_shared>>
    tpu.wait_indirect_dma semaphore(%arg30 : memref<!tpu.dma_semaphore, #tpu.memory_space<semaphore_mem>>) src(%dma_wait3A_101 : memref<262144xf32, #tpu.memory_space<vmem_shared>>) dst(%arg23 : memref<3328xf32, #tpu.memory_space<vmem>>)
    "tpu.region"() ({
      %run_scoped3A = tpu.sem_alloc : memref<!tpu.dma_semaphore, #tpu.memory_space<semaphore_mem>>
      %dma_start3A_103 = tpu.memref_slice %arg10[%mul3A_66] : memref<212992xf32, #tpu.memory_space<hbm>> -> memref<3328xf32, #tpu.memory_space<hbm>>
      %dma_start3A_104 = tpu.memref_slice %arg10[%mul3A_66] : memref<212992xf32, #tpu.memory_space<hbm>> -> memref<3328xf32, #tpu.memory_space<hbm>>
      tpu.enqueue_dma source(%arg22 : memref<3328xf32, #tpu.memory_space<vmem>>) target(%dma_start3A_104 : memref<3328xf32, #tpu.memory_space<hbm>>) target_semaphore(%run_scoped3A : memref<!tpu.dma_semaphore, #tpu.memory_space<semaphore_mem>>)
      %dma_wait3A_105 = tpu.memref_slice %arg10[%mul3A_66] : memref<212992xf32, #tpu.memory_space<hbm>> -> memref<3328xf32, #tpu.memory_space<hbm>>
      %dma_wait3A_106 = tpu.memref_slice %arg10[%mul3A_66] : memref<212992xf32, #tpu.memory_space<hbm>> -> memref<3328xf32, #tpu.memory_space<hbm>>
      tpu.wait_dma2 semaphore(%run_scoped3A : memref<!tpu.dma_semaphore, #tpu.memory_space<semaphore_mem>>) src(%arg22 : memref<3328xf32, #tpu.memory_space<vmem>>) dst(%dma_wait3A_106 : memref<3328xf32, #tpu.memory_space<hbm>>)
      tpu.yield
    }) : () -> ()
    "tpu.region"() ({
      %run_scoped3A = tpu.sem_alloc : memref<!tpu.dma_semaphore, #tpu.memory_space<semaphore_mem>>
      %dma_start3A_103 = tpu.memref_slice %arg11[%mul3A_66] : memref<212992xf32, #tpu.memory_space<hbm>> -> memref<3328xf32, #tpu.memory_space<hbm>>
      %dma_start3A_104 = tpu.memref_slice %arg11[%mul3A_66] : memref<212992xf32, #tpu.memory_space<hbm>> -> memref<3328xf32, #tpu.memory_space<hbm>>
      tpu.enqueue_dma source(%arg23 : memref<3328xf32, #tpu.memory_space<vmem>>) target(%dma_start3A_104 : memref<3328xf32, #tpu.memory_space<hbm>>) target_semaphore(%run_scoped3A : memref<!tpu.dma_semaphore, #tpu.memory_space<semaphore_mem>>)
      %dma_wait3A_105 = tpu.memref_slice %arg11[%mul3A_66] : memref<212992xf32, #tpu.memory_space<hbm>> -> memref<3328xf32, #tpu.memory_space<hbm>>
      %dma_wait3A_106 = tpu.memref_slice %arg11[%mul3A_66] : memref<212992xf32, #tpu.memory_space<hbm>> -> memref<3328xf32, #tpu.memory_space<hbm>>
      tpu.wait_dma2 semaphore(%run_scoped3A : memref<!tpu.dma_semaphore, #tpu.memory_space<semaphore_mem>>) src(%arg23 : memref<3328xf32, #tpu.memory_space<vmem>>) dst(%dma_wait3A_106 : memref<3328xf32, #tpu.memory_space<hbm>>)
      tpu.yield
    }) : () -> ()
    %barrier3A_102 = arith.constant 0 : index
    tpu.barrier barrier_id(%barrier3A_102)
    return
  }
}

module attributes {stable_mosaic.version = 14 : i64} {
  func.func @_dst_body(%arg0: memref<4x2048x128xi32, #tpu.memory_space<vmem>>, %arg1: memref<4x2048x128xi32, #tpu.memory_space<vmem>>) attributes {dimension_semantics = [], scalar_prefetch = 0 : i64, scratch_operands = 0 : i64, tpu.core_type = #tpu.core_type<tc>} {
    %get3A = arith.constant 0 : index
    %get3A_0 = arith.constant 0 : index
    %get3A_1 = arith.constant 0 : index
    %get3A_2 = vector.load %arg0[%get3A, %get3A_0, %get3A_1] : memref<4x2048x128xi32, #tpu.memory_space<vmem>>, vector<4x2048x128xi32>
    %broadcast_in_dim3A = arith.constant 0 : i32
    %broadcast_in_dim3A_3 = vector.broadcast %broadcast_in_dim3A : i32 to vector<4x1x1xi32>
    %scan3A = arith.constant 5.242800e+04 : f32
    %scan3A_4 = arith.constant 0 : i32
    %scan3A_5 = arith.constant 30 : i32
    %scan3A_6 = arith.addi %scan3A_4, %scan3A_5 : i32
    %scan3A_7 = arith.constant 1 : i32
    %scan3A_8 = scf.for %scan3A_175 = %scan3A_4 to %scan3A_6 step %scan3A_7 iter_args(%scan3A_176 = %broadcast_in_dim3A_3) -> (vector<4x1x1xi32>)  : i32 {
      %sub3A_177 = arith.constant 29 : i32
      %sub3A_178 = arith.subi %sub3A_177, %scan3A_175 : i32
      %shift_left3A = arith.constant 1 : i32
      %shift_left3A_179 = arith.shli %shift_left3A, %sub3A_178 : i32
      %or3A_180 = vector.broadcast %shift_left3A_179 : i32 to vector<4x1x1xi32>
      %or3A_181 = arith.ori %scan3A_176, %or3A_180 : vector<4x1x1xi32>
      %lt3A_182 = vector.broadcast %or3A_181 : vector<4x1x1xi32> to vector<4x2048x128xi32>
      %lt3A_183 = arith.cmpi slt, %get3A_2, %lt3A_182 : vector<4x2048x128xi32>
      %convert_element_type3A_184 = arith.extui %lt3A_183 : vector<4x2048x128xi1> to vector<4x2048x128xi32>
      %convert_element_type3A_185 = arith.sitofp %convert_element_type3A_184 : vector<4x2048x128xi32> to vector<4x2048x128xf32>
      %reduce_sum3A_186 = arith.constant dense<0.000000e+00> : vector<4xf32>
      %reduce_sum3A_187 = vector.multi_reduction <add>, %convert_element_type3A_185, %reduce_sum3A_186 [1, 2] : vector<4x2048x128xf32> to vector<4xf32>
      %broadcast_in_dim3A_188 = vector.shape_cast %reduce_sum3A_187 : vector<4xf32> to vector<4x1x1xf32>
      %lt3A_189 = vector.broadcast %scan3A : f32 to vector<4x1x1xf32>
      %lt3A_190 = arith.cmpf olt, %broadcast_in_dim3A_188, %lt3A_189 : vector<4x1x1xf32>
      %select_n3A_191 = arith.select %lt3A_190, %or3A_181, %scan3A_176 : vector<4x1x1xi1>, vector<4x1x1xi32>
      scf.yield %select_n3A_191 : vector<4x1x1xi32>
    }
    %scan3A_9 = arith.constant 30 : i32
    %lt3A = vector.broadcast %scan3A_8 : vector<4x1x1xi32> to vector<4x2048x128xi32>
    %lt3A_10 = arith.cmpi slt, %get3A_2, %lt3A : vector<4x2048x128xi32>
    %convert_element_type3A = arith.extui %lt3A_10 : vector<4x2048x128xi1> to vector<4x2048x128xi32>
    %convert_element_type3A_11 = arith.sitofp %convert_element_type3A : vector<4x2048x128xi32> to vector<4x2048x128xf32>
    %reduce_sum3A = arith.constant dense<0.000000e+00> : vector<4xf32>
    %reduce_sum3A_12 = vector.multi_reduction <add>, %convert_element_type3A_11, %reduce_sum3A [1, 2] : vector<4x2048x128xf32> to vector<4xf32>
    %broadcast_in_dim3A_13 = vector.shape_cast %reduce_sum3A_12 : vector<4xf32> to vector<4x1x1xf32>
    %sub3A = arith.constant 5.242800e+04 : f32
    %sub3A_14 = vector.broadcast %sub3A : f32 to vector<4x1x1xf32>
    %sub3A_15 = arith.subf %sub3A_14, %broadcast_in_dim3A_13 : vector<4x1x1xf32>
    %lt3A_16 = vector.broadcast %scan3A_8 : vector<4x1x1xi32> to vector<4x2048x128xi32>
    %lt3A_17 = arith.cmpi slt, %get3A_2, %lt3A_16 : vector<4x2048x128xi32>
    %eq3A = vector.broadcast %scan3A_8 : vector<4x1x1xi32> to vector<4x2048x128xi32>
    %eq3A_18 = arith.cmpi eq, %get3A_2, %eq3A : vector<4x2048x128xi32>
    %convert_element_type3A_19 = arith.extui %eq3A_18 : vector<4x2048x128xi1> to vector<4x2048x128xi32>
    %convert_element_type3A_20 = arith.sitofp %convert_element_type3A_19 : vector<4x2048x128xi32> to vector<4x2048x128xf32>
    %iota3A = tpu.iota {dimensions = array<i32: 0>} : vector<128x128xi32>
    %iota3A_21 = tpu.iota {dimensions = array<i32: 1>} : vector<128x128xi32>
    %lt3A_22 = arith.cmpi slt, %iota3A, %iota3A_21 : vector<128x128xi32>
    %convert_element_type3A_23 = arith.extui %lt3A_22 : vector<128x128xi1> to vector<128x128xi32>
    %convert_element_type3A_24 = arith.sitofp %convert_element_type3A_23 : vector<128x128xi32> to vector<128x128xf32>
    %reshape3A = vector.shape_cast %convert_element_type3A_20 : vector<4x2048x128xf32> to vector<8192x128xf32>
    %dot_general3A = arith.constant dense<0.000000e+00> : vector<8192x128xf32>
    %dot_general3A_25 = tpu.matmul %reshape3A, %convert_element_type3A_24, %dot_general3A {dimension_numbers = #tpu.dot_dimension_numbers<[1], [0], [0], [1], [0, 0, 1, 1], [], []>, transpose_lhs_hint = false} : vector<8192x128xf32>, vector<128x128xf32>, vector<8192x128xf32> -> vector<8192x128xf32>
    %reshape3A_26 = vector.shape_cast %dot_general3A_25 : vector<8192x128xf32> to vector<4x2048x128xf32>
    %reduce_sum3A_27 = arith.constant dense<0.000000e+00> : vector<4x2048xf32>
    %reduce_sum3A_28 = vector.multi_reduction <add>, %convert_element_type3A_20, %reduce_sum3A_27 [2] : vector<4x2048x128xf32> to vector<4x2048xf32>
    %broadcast_in_dim3A_29 = vector.shape_cast %reduce_sum3A_28 : vector<4x2048xf32> to vector<4x2048x1xf32>
    %broadcast_in_dim3A_30 = arith.constant 0.000000e+00 : f32
    %broadcast_in_dim3A_31 = vector.broadcast %broadcast_in_dim3A_30 : f32 to vector<4x1x1xf32>
    %slice3A = vector.extract_strided_slice %broadcast_in_dim3A_29 {offsets = [0, 0, 0], sizes = [4, 2047, 1], strides = [1, 1, 1]} : vector<4x2048x1xf32> to vector<4x2047x1xf32>
    %concatenate3A = tpu.concatenate %broadcast_in_dim3A_31, %slice3A in 1 : vector<4x1x1xf32>, vector<4x2047x1xf32> -> vector<4x2048x1xf32>
    %add3A = arith.addf %broadcast_in_dim3A_29, %concatenate3A : vector<4x2048x1xf32>
    %broadcast_in_dim3A_32 = arith.constant 0.000000e+00 : f32
    %broadcast_in_dim3A_33 = vector.broadcast %broadcast_in_dim3A_32 : f32 to vector<4x2x1xf32>
    %slice3A_34 = vector.extract_strided_slice %add3A {offsets = [0, 0, 0], sizes = [4, 2046, 1], strides = [1, 1, 1]} : vector<4x2048x1xf32> to vector<4x2046x1xf32>
    %concatenate3A_35 = tpu.concatenate %broadcast_in_dim3A_33, %slice3A_34 in 1 : vector<4x2x1xf32>, vector<4x2046x1xf32> -> vector<4x2048x1xf32>
    %add3A_36 = arith.addf %add3A, %concatenate3A_35 : vector<4x2048x1xf32>
    %broadcast_in_dim3A_37 = arith.constant 0.000000e+00 : f32
    %broadcast_in_dim3A_38 = vector.broadcast %broadcast_in_dim3A_37 : f32 to vector<4x4x1xf32>
    %slice3A_39 = vector.extract_strided_slice %add3A_36 {offsets = [0, 0, 0], sizes = [4, 2044, 1], strides = [1, 1, 1]} : vector<4x2048x1xf32> to vector<4x2044x1xf32>
    %concatenate3A_40 = tpu.concatenate %broadcast_in_dim3A_38, %slice3A_39 in 1 : vector<4x4x1xf32>, vector<4x2044x1xf32> -> vector<4x2048x1xf32>
    %add3A_41 = arith.addf %add3A_36, %concatenate3A_40 : vector<4x2048x1xf32>
    %broadcast_in_dim3A_42 = arith.constant 0.000000e+00 : f32
    %broadcast_in_dim3A_43 = vector.broadcast %broadcast_in_dim3A_42 : f32 to vector<4x8x1xf32>
    %slice3A_44 = vector.extract_strided_slice %add3A_41 {offsets = [0, 0, 0], sizes = [4, 2040, 1], strides = [1, 1, 1]} : vector<4x2048x1xf32> to vector<4x2040x1xf32>
    %concatenate3A_45 = tpu.concatenate %broadcast_in_dim3A_43, %slice3A_44 in 1 : vector<4x8x1xf32>, vector<4x2040x1xf32> -> vector<4x2048x1xf32>
    %add3A_46 = arith.addf %add3A_41, %concatenate3A_45 : vector<4x2048x1xf32>
    %broadcast_in_dim3A_47 = arith.constant 0.000000e+00 : f32
    %broadcast_in_dim3A_48 = vector.broadcast %broadcast_in_dim3A_47 : f32 to vector<4x16x1xf32>
    %slice3A_49 = vector.extract_strided_slice %add3A_46 {offsets = [0, 0, 0], sizes = [4, 2032, 1], strides = [1, 1, 1]} : vector<4x2048x1xf32> to vector<4x2032x1xf32>
    %concatenate3A_50 = tpu.concatenate %broadcast_in_dim3A_48, %slice3A_49 in 1 : vector<4x16x1xf32>, vector<4x2032x1xf32> -> vector<4x2048x1xf32>
    %add3A_51 = arith.addf %add3A_46, %concatenate3A_50 : vector<4x2048x1xf32>
    %broadcast_in_dim3A_52 = arith.constant 0.000000e+00 : f32
    %broadcast_in_dim3A_53 = vector.broadcast %broadcast_in_dim3A_52 : f32 to vector<4x32x1xf32>
    %slice3A_54 = vector.extract_strided_slice %add3A_51 {offsets = [0, 0, 0], sizes = [4, 2016, 1], strides = [1, 1, 1]} : vector<4x2048x1xf32> to vector<4x2016x1xf32>
    %concatenate3A_55 = tpu.concatenate %broadcast_in_dim3A_53, %slice3A_54 in 1 : vector<4x32x1xf32>, vector<4x2016x1xf32> -> vector<4x2048x1xf32>
    %add3A_56 = arith.addf %add3A_51, %concatenate3A_55 : vector<4x2048x1xf32>
    %broadcast_in_dim3A_57 = arith.constant 0.000000e+00 : f32
    %broadcast_in_dim3A_58 = vector.broadcast %broadcast_in_dim3A_57 : f32 to vector<4x64x1xf32>
    %slice3A_59 = vector.extract_strided_slice %add3A_56 {offsets = [0, 0, 0], sizes = [4, 1984, 1], strides = [1, 1, 1]} : vector<4x2048x1xf32> to vector<4x1984x1xf32>
    %concatenate3A_60 = tpu.concatenate %broadcast_in_dim3A_58, %slice3A_59 in 1 : vector<4x64x1xf32>, vector<4x1984x1xf32> -> vector<4x2048x1xf32>
    %add3A_61 = arith.addf %add3A_56, %concatenate3A_60 : vector<4x2048x1xf32>
    %broadcast_in_dim3A_62 = arith.constant 0.000000e+00 : f32
    %broadcast_in_dim3A_63 = vector.broadcast %broadcast_in_dim3A_62 : f32 to vector<4x128x1xf32>
    %slice3A_64 = vector.extract_strided_slice %add3A_61 {offsets = [0, 0, 0], sizes = [4, 1920, 1], strides = [1, 1, 1]} : vector<4x2048x1xf32> to vector<4x1920x1xf32>
    %concatenate3A_65 = tpu.concatenate %broadcast_in_dim3A_63, %slice3A_64 in 1 : vector<4x128x1xf32>, vector<4x1920x1xf32> -> vector<4x2048x1xf32>
    %add3A_66 = arith.addf %add3A_61, %concatenate3A_65 : vector<4x2048x1xf32>
    %broadcast_in_dim3A_67 = arith.constant 0.000000e+00 : f32
    %broadcast_in_dim3A_68 = vector.broadcast %broadcast_in_dim3A_67 : f32 to vector<4x256x1xf32>
    %slice3A_69 = vector.extract_strided_slice %add3A_66 {offsets = [0, 0, 0], sizes = [4, 1792, 1], strides = [1, 1, 1]} : vector<4x2048x1xf32> to vector<4x1792x1xf32>
    %concatenate3A_70 = tpu.concatenate %broadcast_in_dim3A_68, %slice3A_69 in 1 : vector<4x256x1xf32>, vector<4x1792x1xf32> -> vector<4x2048x1xf32>
    %add3A_71 = arith.addf %add3A_66, %concatenate3A_70 : vector<4x2048x1xf32>
    %broadcast_in_dim3A_72 = arith.constant 0.000000e+00 : f32
    %broadcast_in_dim3A_73 = vector.broadcast %broadcast_in_dim3A_72 : f32 to vector<4x512x1xf32>
    %slice3A_74 = vector.extract_strided_slice %add3A_71 {offsets = [0, 0, 0], sizes = [4, 1536, 1], strides = [1, 1, 1]} : vector<4x2048x1xf32> to vector<4x1536x1xf32>
    %concatenate3A_75 = tpu.concatenate %broadcast_in_dim3A_73, %slice3A_74 in 1 : vector<4x512x1xf32>, vector<4x1536x1xf32> -> vector<4x2048x1xf32>
    %add3A_76 = arith.addf %add3A_71, %concatenate3A_75 : vector<4x2048x1xf32>
    %broadcast_in_dim3A_77 = arith.constant 0.000000e+00 : f32
    %broadcast_in_dim3A_78 = vector.broadcast %broadcast_in_dim3A_77 : f32 to vector<4x1024x1xf32>
    %slice3A_79 = vector.extract_strided_slice %add3A_76 {offsets = [0, 0, 0], sizes = [4, 1024, 1], strides = [1, 1, 1]} : vector<4x2048x1xf32> to vector<4x1024x1xf32>
    %concatenate3A_80 = tpu.concatenate %broadcast_in_dim3A_78, %slice3A_79 in 1 : vector<4x1024x1xf32>, vector<4x1024x1xf32> -> vector<4x2048x1xf32>
    %add3A_81 = arith.addf %add3A_76, %concatenate3A_80 : vector<4x2048x1xf32>
    %sub3A_82 = arith.subf %add3A_81, %broadcast_in_dim3A_29 : vector<4x2048x1xf32>
    %add3A_83 = vector.broadcast %sub3A_82 : vector<4x2048x1xf32> to vector<4x2048x128xf32>
    %add3A_84 = arith.addf %reshape3A_26, %add3A_83 : vector<4x2048x128xf32>
    %lt3A_85 = vector.broadcast %sub3A_15 : vector<4x1x1xf32> to vector<4x2048x128xf32>
    %lt3A_86 = arith.cmpf olt, %add3A_84, %lt3A_85 : vector<4x2048x128xf32>
    %and3A = arith.andi %eq3A_18, %lt3A_86 : vector<4x2048x128xi1>
    %or3A = arith.ori %lt3A_17, %and3A : vector<4x2048x128xi1>
    %convert_element_type3A_87 = arith.extui %or3A : vector<4x2048x128xi1> to vector<4x2048x128xi32>
    %convert_element_type3A_88 = arith.sitofp %convert_element_type3A_87 : vector<4x2048x128xi32> to vector<4x2048x128xf32>
    %iota3A_89 = tpu.iota {dimensions = array<i32: 0>} : vector<128x128xi32>
    %iota3A_90 = tpu.iota {dimensions = array<i32: 1>} : vector<128x128xi32>
    %lt3A_91 = arith.cmpi slt, %iota3A_89, %iota3A_90 : vector<128x128xi32>
    %convert_element_type3A_92 = arith.extui %lt3A_91 : vector<128x128xi1> to vector<128x128xi32>
    %convert_element_type3A_93 = arith.sitofp %convert_element_type3A_92 : vector<128x128xi32> to vector<128x128xf32>
    %reshape3A_94 = vector.shape_cast %convert_element_type3A_88 : vector<4x2048x128xf32> to vector<8192x128xf32>
    %dot_general3A_95 = arith.constant dense<0.000000e+00> : vector<8192x128xf32>
    %dot_general3A_96 = tpu.matmul %reshape3A_94, %convert_element_type3A_93, %dot_general3A_95 {dimension_numbers = #tpu.dot_dimension_numbers<[1], [0], [0], [1], [0, 0, 1, 1], [], []>, transpose_lhs_hint = false} : vector<8192x128xf32>, vector<128x128xf32>, vector<8192x128xf32> -> vector<8192x128xf32>
    %reshape3A_97 = vector.shape_cast %dot_general3A_96 : vector<8192x128xf32> to vector<4x2048x128xf32>
    %reduce_sum3A_98 = arith.constant dense<0.000000e+00> : vector<4x2048xf32>
    %reduce_sum3A_99 = vector.multi_reduction <add>, %convert_element_type3A_88, %reduce_sum3A_98 [2] : vector<4x2048x128xf32> to vector<4x2048xf32>
    %broadcast_in_dim3A_100 = vector.shape_cast %reduce_sum3A_99 : vector<4x2048xf32> to vector<4x2048x1xf32>
    %broadcast_in_dim3A_101 = arith.constant 0.000000e+00 : f32
    %broadcast_in_dim3A_102 = vector.broadcast %broadcast_in_dim3A_101 : f32 to vector<4x1x1xf32>
    %slice3A_103 = vector.extract_strided_slice %broadcast_in_dim3A_100 {offsets = [0, 0, 0], sizes = [4, 2047, 1], strides = [1, 1, 1]} : vector<4x2048x1xf32> to vector<4x2047x1xf32>
    %concatenate3A_104 = tpu.concatenate %broadcast_in_dim3A_102, %slice3A_103 in 1 : vector<4x1x1xf32>, vector<4x2047x1xf32> -> vector<4x2048x1xf32>
    %add3A_105 = arith.addf %broadcast_in_dim3A_100, %concatenate3A_104 : vector<4x2048x1xf32>
    %broadcast_in_dim3A_106 = arith.constant 0.000000e+00 : f32
    %broadcast_in_dim3A_107 = vector.broadcast %broadcast_in_dim3A_106 : f32 to vector<4x2x1xf32>
    %slice3A_108 = vector.extract_strided_slice %add3A_105 {offsets = [0, 0, 0], sizes = [4, 2046, 1], strides = [1, 1, 1]} : vector<4x2048x1xf32> to vector<4x2046x1xf32>
    %concatenate3A_109 = tpu.concatenate %broadcast_in_dim3A_107, %slice3A_108 in 1 : vector<4x2x1xf32>, vector<4x2046x1xf32> -> vector<4x2048x1xf32>
    %add3A_110 = arith.addf %add3A_105, %concatenate3A_109 : vector<4x2048x1xf32>
    %broadcast_in_dim3A_111 = arith.constant 0.000000e+00 : f32
    %broadcast_in_dim3A_112 = vector.broadcast %broadcast_in_dim3A_111 : f32 to vector<4x4x1xf32>
    %slice3A_113 = vector.extract_strided_slice %add3A_110 {offsets = [0, 0, 0], sizes = [4, 2044, 1], strides = [1, 1, 1]} : vector<4x2048x1xf32> to vector<4x2044x1xf32>
    %concatenate3A_114 = tpu.concatenate %broadcast_in_dim3A_112, %slice3A_113 in 1 : vector<4x4x1xf32>, vector<4x2044x1xf32> -> vector<4x2048x1xf32>
    %add3A_115 = arith.addf %add3A_110, %concatenate3A_114 : vector<4x2048x1xf32>
    %broadcast_in_dim3A_116 = arith.constant 0.000000e+00 : f32
    %broadcast_in_dim3A_117 = vector.broadcast %broadcast_in_dim3A_116 : f32 to vector<4x8x1xf32>
    %slice3A_118 = vector.extract_strided_slice %add3A_115 {offsets = [0, 0, 0], sizes = [4, 2040, 1], strides = [1, 1, 1]} : vector<4x2048x1xf32> to vector<4x2040x1xf32>
    %concatenate3A_119 = tpu.concatenate %broadcast_in_dim3A_117, %slice3A_118 in 1 : vector<4x8x1xf32>, vector<4x2040x1xf32> -> vector<4x2048x1xf32>
    %add3A_120 = arith.addf %add3A_115, %concatenate3A_119 : vector<4x2048x1xf32>
    %broadcast_in_dim3A_121 = arith.constant 0.000000e+00 : f32
    %broadcast_in_dim3A_122 = vector.broadcast %broadcast_in_dim3A_121 : f32 to vector<4x16x1xf32>
    %slice3A_123 = vector.extract_strided_slice %add3A_120 {offsets = [0, 0, 0], sizes = [4, 2032, 1], strides = [1, 1, 1]} : vector<4x2048x1xf32> to vector<4x2032x1xf32>
    %concatenate3A_124 = tpu.concatenate %broadcast_in_dim3A_122, %slice3A_123 in 1 : vector<4x16x1xf32>, vector<4x2032x1xf32> -> vector<4x2048x1xf32>
    %add3A_125 = arith.addf %add3A_120, %concatenate3A_124 : vector<4x2048x1xf32>
    %broadcast_in_dim3A_126 = arith.constant 0.000000e+00 : f32
    %broadcast_in_dim3A_127 = vector.broadcast %broadcast_in_dim3A_126 : f32 to vector<4x32x1xf32>
    %slice3A_128 = vector.extract_strided_slice %add3A_125 {offsets = [0, 0, 0], sizes = [4, 2016, 1], strides = [1, 1, 1]} : vector<4x2048x1xf32> to vector<4x2016x1xf32>
    %concatenate3A_129 = tpu.concatenate %broadcast_in_dim3A_127, %slice3A_128 in 1 : vector<4x32x1xf32>, vector<4x2016x1xf32> -> vector<4x2048x1xf32>
    %add3A_130 = arith.addf %add3A_125, %concatenate3A_129 : vector<4x2048x1xf32>
    %broadcast_in_dim3A_131 = arith.constant 0.000000e+00 : f32
    %broadcast_in_dim3A_132 = vector.broadcast %broadcast_in_dim3A_131 : f32 to vector<4x64x1xf32>
    %slice3A_133 = vector.extract_strided_slice %add3A_130 {offsets = [0, 0, 0], sizes = [4, 1984, 1], strides = [1, 1, 1]} : vector<4x2048x1xf32> to vector<4x1984x1xf32>
    %concatenate3A_134 = tpu.concatenate %broadcast_in_dim3A_132, %slice3A_133 in 1 : vector<4x64x1xf32>, vector<4x1984x1xf32> -> vector<4x2048x1xf32>
    %add3A_135 = arith.addf %add3A_130, %concatenate3A_134 : vector<4x2048x1xf32>
    %broadcast_in_dim3A_136 = arith.constant 0.000000e+00 : f32
    %broadcast_in_dim3A_137 = vector.broadcast %broadcast_in_dim3A_136 : f32 to vector<4x128x1xf32>
    %slice3A_138 = vector.extract_strided_slice %add3A_135 {offsets = [0, 0, 0], sizes = [4, 1920, 1], strides = [1, 1, 1]} : vector<4x2048x1xf32> to vector<4x1920x1xf32>
    %concatenate3A_139 = tpu.concatenate %broadcast_in_dim3A_137, %slice3A_138 in 1 : vector<4x128x1xf32>, vector<4x1920x1xf32> -> vector<4x2048x1xf32>
    %add3A_140 = arith.addf %add3A_135, %concatenate3A_139 : vector<4x2048x1xf32>
    %broadcast_in_dim3A_141 = arith.constant 0.000000e+00 : f32
    %broadcast_in_dim3A_142 = vector.broadcast %broadcast_in_dim3A_141 : f32 to vector<4x256x1xf32>
    %slice3A_143 = vector.extract_strided_slice %add3A_140 {offsets = [0, 0, 0], sizes = [4, 1792, 1], strides = [1, 1, 1]} : vector<4x2048x1xf32> to vector<4x1792x1xf32>
    %concatenate3A_144 = tpu.concatenate %broadcast_in_dim3A_142, %slice3A_143 in 1 : vector<4x256x1xf32>, vector<4x1792x1xf32> -> vector<4x2048x1xf32>
    %add3A_145 = arith.addf %add3A_140, %concatenate3A_144 : vector<4x2048x1xf32>
    %broadcast_in_dim3A_146 = arith.constant 0.000000e+00 : f32
    %broadcast_in_dim3A_147 = vector.broadcast %broadcast_in_dim3A_146 : f32 to vector<4x512x1xf32>
    %slice3A_148 = vector.extract_strided_slice %add3A_145 {offsets = [0, 0, 0], sizes = [4, 1536, 1], strides = [1, 1, 1]} : vector<4x2048x1xf32> to vector<4x1536x1xf32>
    %concatenate3A_149 = tpu.concatenate %broadcast_in_dim3A_147, %slice3A_148 in 1 : vector<4x512x1xf32>, vector<4x1536x1xf32> -> vector<4x2048x1xf32>
    %add3A_150 = arith.addf %add3A_145, %concatenate3A_149 : vector<4x2048x1xf32>
    %broadcast_in_dim3A_151 = arith.constant 0.000000e+00 : f32
    %broadcast_in_dim3A_152 = vector.broadcast %broadcast_in_dim3A_151 : f32 to vector<4x1024x1xf32>
    %slice3A_153 = vector.extract_strided_slice %add3A_150 {offsets = [0, 0, 0], sizes = [4, 1024, 1], strides = [1, 1, 1]} : vector<4x2048x1xf32> to vector<4x1024x1xf32>
    %concatenate3A_154 = tpu.concatenate %broadcast_in_dim3A_152, %slice3A_153 in 1 : vector<4x1024x1xf32>, vector<4x1024x1xf32> -> vector<4x2048x1xf32>
    %add3A_155 = arith.addf %add3A_150, %concatenate3A_154 : vector<4x2048x1xf32>
    %sub3A_156 = arith.subf %add3A_155, %broadcast_in_dim3A_100 : vector<4x2048x1xf32>
    %add3A_157 = vector.broadcast %sub3A_156 : vector<4x2048x1xf32> to vector<4x2048x128xf32>
    %add3A_158 = arith.addf %reshape3A_97, %add3A_157 : vector<4x2048x128xf32>
    %iota3A_159 = tpu.iota {dimensions = array<i32: 0>} : vector<2048x128xi32>
    %iota3A_160 = tpu.iota {dimensions = array<i32: 1>} : vector<2048x128xi32>
    %mul3A = arith.constant 128 : i32
    %mul3A_161 = vector.broadcast %mul3A : i32 to vector<2048x128xi32>
    %mul3A_162 = arith.muli %iota3A_159, %mul3A_161 : vector<2048x128xi32>
    %add3A_163 = arith.addi %mul3A_162, %iota3A_160 : vector<2048x128xi32>
    %convert_element_type3A_164 = arith.sitofp %add3A_163 : vector<2048x128xi32> to vector<2048x128xf32>
    %add3A_165 = arith.constant 5.242800e+04 : f32
    %add3A_166 = vector.broadcast %add3A_165 : f32 to vector<2048x128xf32>
    %add3A_167 = arith.addf %add3A_166, %convert_element_type3A_164 : vector<2048x128xf32>
    %broadcast_in_dim3A_168 = vector.shape_cast %add3A_167 : vector<2048x128xf32> to vector<1x2048x128xf32>
    %sub3A_169 = vector.broadcast %broadcast_in_dim3A_168 : vector<1x2048x128xf32> to vector<4x2048x128xf32>
    %sub3A_170 = arith.subf %sub3A_169, %add3A_158 : vector<4x2048x128xf32>
    %select_n3A = arith.select %or3A, %add3A_158, %sub3A_170 : vector<4x2048x128xi1>, vector<4x2048x128xf32>
    %convert_element_type3A_171 = arith.fptosi %select_n3A : vector<4x2048x128xf32> to vector<4x2048x128xi32>
    %swap3A = arith.constant 0 : index
    %swap3A_172 = arith.constant 0 : index
    %swap3A_173 = arith.constant 0 : index
    %swap3A_174 = vector.load %arg1[%swap3A, %swap3A_172, %swap3A_173] : memref<4x2048x128xi32, #tpu.memory_space<vmem>>, vector<4x2048x128xi32>
    tpu.vector_store %arg1[%swap3A, %swap3A_172, %swap3A_173], %convert_element_type3A_171 {strides = array<i32>} : memref<4x2048x128xi32, #tpu.memory_space<vmem>>, vector<4x2048x128xi32>,
    return
  }
}

module attributes {stable_mosaic.version = 14 : i64} {
  func.func @_loss_body(%arg0: memref<4x53248xf32, #tpu.memory_space<vmem>>, %arg1: memref<4x53248xf32, #tpu.memory_space<vmem>>, %arg2: memref<4x53248xf32, #tpu.memory_space<vmem>>, %arg3: memref<4x53248xf32, #tpu.memory_space<vmem>>, %arg4: memref<4x26624xf32, #tpu.memory_space<vmem>>, %arg5: memref<4x26624xf32, #tpu.memory_space<vmem>>, %arg6: memref<4x26624xf32, #tpu.memory_space<vmem>>, %arg7: memref<4x26624xf32, #tpu.memory_space<vmem>>, %arg8: memref<1x1xf32, #tpu.memory_space<smem>>) attributes {dimension_semantics = [], scalar_prefetch = 0 : i64, scratch_operands = 0 : i64, tpu.core_type = #tpu.core_type<tc>} {
    %get3A = arith.constant 0 : index
    %get3A_0 = arith.constant 0 : index
    %get3A_1 = vector.load %arg0[%get3A, %get3A_0] : memref<4x53248xf32, #tpu.memory_space<vmem>>, vector<4x53248xf32>
    %get3A_2 = arith.constant 0 : index
    %get3A_3 = arith.constant 0 : index
    %get3A_4 = vector.load %arg2[%get3A_2, %get3A_3] : memref<4x53248xf32, #tpu.memory_space<vmem>>, vector<4x53248xf32>
    %iota3A = tpu.iota {dimensions = array<i32: 1>} : vector<4x53248xi32>
    %lt3A = arith.constant 52428 : i32
    %lt3A_5 = vector.broadcast %lt3A : i32 to vector<4x53248xi32>
    %lt3A_6 = arith.cmpi slt, %iota3A, %lt3A_5 : vector<4x53248xi32>
    %div3A = arith.divf %get3A_1, %get3A_4 : vector<4x53248xf32>
    %ge3A = arith.constant 1.150000e+00 : f32
    %ge3A_7 = vector.broadcast %ge3A : f32 to vector<4x53248xf32>
    %ge3A_8 = arith.cmpf oge, %div3A, %ge3A_7 : vector<4x53248xf32>
    %div3A_9 = arith.divf %get3A_4, %get3A_1 : vector<4x53248xf32>
    %gt3A = arith.constant 1.150000e+00 : f32
    %gt3A_10 = vector.broadcast %gt3A : f32 to vector<4x53248xf32>
    %gt3A_11 = arith.cmpf ogt, %div3A_9, %gt3A_10 : vector<4x53248xf32>
    %jit3A = arith.constant -1.000000e+00 : f32
    %jit3A_12 = arith.constant 0.000000e+00 : f32
    %broadcast_in_dim3A = vector.broadcast %jit3A : f32 to vector<4x53248xf32>
    %broadcast_in_dim3A_13 = vector.broadcast %jit3A_12 : f32 to vector<4x53248xf32>
    %select_n3A = arith.select %gt3A_11, %broadcast_in_dim3A, %broadcast_in_dim3A_13 : vector<4x53248xi1>, vector<4x53248xf32>
    %jit3A_14 = arith.constant 1.000000e+00 : f32
    %broadcast_in_dim3A_15 = vector.broadcast %jit3A_14 : f32 to vector<4x53248xf32>
    %select_n3A_16 = arith.select %ge3A_8, %broadcast_in_dim3A_15, %select_n3A : vector<4x53248xi1>, vector<4x53248xf32>
    %ne3A = arith.constant 0.000000e+00 : f32
    %ne3A_17 = vector.broadcast %ne3A : f32 to vector<4x53248xf32>
    %ne3A_18 = arith.cmpf one, %select_n3A_16, %ne3A_17 : vector<4x53248xf32>
    %and3A = arith.andi %ne3A_18, %lt3A_6 : vector<4x53248xi1>
    %get3A_19 = arith.constant 0 : index
    %get3A_20 = arith.constant 0 : index
    %get3A_21 = vector.load %arg1[%get3A_19, %get3A_20] : memref<4x53248xf32, #tpu.memory_space<vmem>>, vector<4x53248xf32>
    %get3A_22 = arith.constant 0 : index
    %get3A_23 = arith.constant 0 : index
    %get3A_24 = vector.load %arg3[%get3A_22, %get3A_23] : memref<4x53248xf32, #tpu.memory_space<vmem>>, vector<4x53248xf32>
    %sub3A = arith.subf %get3A_21, %get3A_24 : vector<4x53248xf32>
    %neg3A = arith.constant 0.000000e+00 : f32
    %neg3A_25 = vector.broadcast %neg3A : f32 to vector<4x53248xf32>
    %neg3A_26 = arith.subf %neg3A_25, %select_n3A_16 : vector<4x53248xf32>
    %mul3A = arith.mulf %neg3A_26, %sub3A : vector<4x53248xf32>
    %exp3A = math.exp %mul3A : vector<4x53248xf32>
    %add3A = arith.constant 1.000000e+00 : f32
    %add3A_27 = vector.broadcast %add3A : f32 to vector<4x53248xf32>
    %add3A_28 = arith.addf %add3A_27, %exp3A : vector<4x53248xf32>
    %log3A = math.log %add3A_28 : vector<4x53248xf32>
    %jit3A_29 = arith.constant 0.000000e+00 : f32
    %broadcast_in_dim3A_30 = vector.broadcast %jit3A_29 : f32 to vector<4x53248xf32>
    %select_n3A_31 = arith.select %and3A, %log3A, %broadcast_in_dim3A_30 : vector<4x53248xi1>, vector<4x53248xf32>
    %reduce_sum3A = vector.shape_cast %select_n3A_31 : vector<4x53248xf32> to vector<1x4x53248xf32>
    %reduce_sum3A_32 = arith.constant dense<0.000000e+00> : vector<1xf32>
    %reduce_sum3A_33 = vector.multi_reduction <add>, %reduce_sum3A, %reduce_sum3A_32 [1, 2] : vector<1x4x53248xf32> to vector<1xf32>
    %reduce_sum3A_34 = vector.shape_cast %reduce_sum3A_33 : vector<1xf32> to vector<1x1x1xf32>
    %reduce_sum3A_35 = vector.extract %reduce_sum3A_34[0, 0, 0] : f32 from vector<1x1x1xf32>
    %convert_element_type3A = arith.extui %and3A : vector<4x53248xi1> to vector<4x53248xi32>
    %convert_element_type3A_36 = arith.sitofp %convert_element_type3A : vector<4x53248xi32> to vector<4x53248xf32>
    %reduce_sum3A_37 = vector.shape_cast %convert_element_type3A_36 : vector<4x53248xf32> to vector<1x4x53248xf32>
    %reduce_sum3A_38 = arith.constant dense<0.000000e+00> : vector<1xf32>
    %reduce_sum3A_39 = vector.multi_reduction <add>, %reduce_sum3A_37, %reduce_sum3A_38 [1, 2] : vector<1x4x53248xf32> to vector<1xf32>
    %reduce_sum3A_40 = vector.shape_cast %reduce_sum3A_39 : vector<1xf32> to vector<1x1x1xf32>
    %reduce_sum3A_41 = vector.extract %reduce_sum3A_40[0, 0, 0] : f32 from vector<1x1x1xf32>
    %get3A_42 = arith.constant 0 : index
    %get3A_43 = arith.constant 0 : index
    %get3A_44 = vector.load %arg4[%get3A_42, %get3A_43] : memref<4x26624xf32, #tpu.memory_space<vmem>>, vector<4x26624xf32>
    %get3A_45 = arith.constant 0 : index
    %get3A_46 = arith.constant 0 : index
    %get3A_47 = vector.load %arg5[%get3A_45, %get3A_46] : memref<4x26624xf32, #tpu.memory_space<vmem>>, vector<4x26624xf32>
    %iota3A_48 = tpu.iota {dimensions = array<i32: 1>} : vector<4x26624xi32>
    %lt3A_49 = arith.constant 26131 : i32
    %lt3A_50 = vector.broadcast %lt3A_49 : i32 to vector<4x26624xi32>
    %lt3A_51 = arith.cmpi slt, %iota3A_48, %lt3A_50 : vector<4x26624xi32>
    %gt3A_52 = arith.constant 9.99999993E-9 : f32
    %gt3A_53 = vector.broadcast %gt3A_52 : f32 to vector<4x26624xf32>
    %gt3A_54 = arith.cmpf ogt, %get3A_44, %gt3A_53 : vector<4x26624xf32>
    %gt3A_55 = arith.constant 9.99999993E-9 : f32
    %gt3A_56 = vector.broadcast %gt3A_55 : f32 to vector<4x26624xf32>
    %gt3A_57 = arith.cmpf ogt, %get3A_47, %gt3A_56 : vector<4x26624xf32>
    %or3A = arith.ori %gt3A_54, %gt3A_57 : vector<4x26624xi1>
    %div3A_58 = arith.divf %get3A_44, %get3A_47 : vector<4x26624xf32>
    %gt3A_59 = arith.constant 1.150000e+00 : f32
    %gt3A_60 = vector.broadcast %gt3A_59 : f32 to vector<4x26624xf32>
    %gt3A_61 = arith.cmpf ogt, %div3A_58, %gt3A_60 : vector<4x26624xf32>
    %div3A_62 = arith.divf %get3A_47, %get3A_44 : vector<4x26624xf32>
    %gt3A_63 = arith.constant 1.150000e+00 : f32
    %gt3A_64 = vector.broadcast %gt3A_63 : f32 to vector<4x26624xf32>
    %gt3A_65 = arith.cmpf ogt, %div3A_62, %gt3A_64 : vector<4x26624xf32>
    %jit3A_66 = arith.constant -1.000000e+00 : f32
    %jit3A_67 = arith.constant 0.000000e+00 : f32
    %broadcast_in_dim3A_68 = vector.broadcast %jit3A_66 : f32 to vector<4x26624xf32>
    %broadcast_in_dim3A_69 = vector.broadcast %jit3A_67 : f32 to vector<4x26624xf32>
    %select_n3A_70 = arith.select %gt3A_65, %broadcast_in_dim3A_68, %broadcast_in_dim3A_69 : vector<4x26624xi1>, vector<4x26624xf32>
    %jit3A_71 = arith.constant 1.000000e+00 : f32
    %broadcast_in_dim3A_72 = vector.broadcast %jit3A_71 : f32 to vector<4x26624xf32>
    %select_n3A_73 = arith.select %gt3A_61, %broadcast_in_dim3A_72, %select_n3A_70 : vector<4x26624xi1>, vector<4x26624xf32>
    %ne3A_74 = arith.constant 0.000000e+00 : f32
    %ne3A_75 = vector.broadcast %ne3A_74 : f32 to vector<4x26624xf32>
    %ne3A_76 = arith.cmpf one, %select_n3A_73, %ne3A_75 : vector<4x26624xf32>
    %and3A_77 = arith.andi %or3A, %ne3A_76 : vector<4x26624xi1>
    %and3A_78 = arith.andi %and3A_77, %lt3A_51 : vector<4x26624xi1>
    %get3A_79 = arith.constant 0 : index
    %get3A_80 = arith.constant 0 : index
    %get3A_81 = vector.load %arg6[%get3A_79, %get3A_80] : memref<4x26624xf32, #tpu.memory_space<vmem>>, vector<4x26624xf32>
    %get3A_82 = arith.constant 0 : index
    %get3A_83 = arith.constant 0 : index
    %get3A_84 = vector.load %arg7[%get3A_82, %get3A_83] : memref<4x26624xf32, #tpu.memory_space<vmem>>, vector<4x26624xf32>
    %sub3A_85 = arith.subf %get3A_81, %get3A_84 : vector<4x26624xf32>
    %neg3A_86 = arith.constant 0.000000e+00 : f32
    %neg3A_87 = vector.broadcast %neg3A_86 : f32 to vector<4x26624xf32>
    %neg3A_88 = arith.subf %neg3A_87, %select_n3A_73 : vector<4x26624xf32>
    %mul3A_89 = arith.mulf %neg3A_88, %sub3A_85 : vector<4x26624xf32>
    %exp3A_90 = math.exp %mul3A_89 : vector<4x26624xf32>
    %add3A_91 = arith.constant 1.000000e+00 : f32
    %add3A_92 = vector.broadcast %add3A_91 : f32 to vector<4x26624xf32>
    %add3A_93 = arith.addf %add3A_92, %exp3A_90 : vector<4x26624xf32>
    %log3A_94 = math.log %add3A_93 : vector<4x26624xf32>
    %jit3A_95 = arith.constant 0.000000e+00 : f32
    %broadcast_in_dim3A_96 = vector.broadcast %jit3A_95 : f32 to vector<4x26624xf32>
    %select_n3A_97 = arith.select %and3A_78, %log3A_94, %broadcast_in_dim3A_96 : vector<4x26624xi1>, vector<4x26624xf32>
    %reduce_sum3A_98 = vector.shape_cast %select_n3A_97 : vector<4x26624xf32> to vector<1x4x26624xf32>
    %reduce_sum3A_99 = arith.constant dense<0.000000e+00> : vector<1xf32>
    %reduce_sum3A_100 = vector.multi_reduction <add>, %reduce_sum3A_98, %reduce_sum3A_99 [1, 2] : vector<1x4x26624xf32> to vector<1xf32>
    %reduce_sum3A_101 = vector.shape_cast %reduce_sum3A_100 : vector<1xf32> to vector<1x1x1xf32>
    %reduce_sum3A_102 = vector.extract %reduce_sum3A_101[0, 0, 0] : f32 from vector<1x1x1xf32>
    %convert_element_type3A_103 = arith.extui %and3A_78 : vector<4x26624xi1> to vector<4x26624xi32>
    %convert_element_type3A_104 = arith.sitofp %convert_element_type3A_103 : vector<4x26624xi32> to vector<4x26624xf32>
    %reduce_sum3A_105 = vector.shape_cast %convert_element_type3A_104 : vector<4x26624xf32> to vector<1x4x26624xf32>
    %reduce_sum3A_106 = arith.constant dense<0.000000e+00> : vector<1xf32>
    %reduce_sum3A_107 = vector.multi_reduction <add>, %reduce_sum3A_105, %reduce_sum3A_106 [1, 2] : vector<1x4x26624xf32> to vector<1xf32>
    %reduce_sum3A_108 = vector.shape_cast %reduce_sum3A_107 : vector<1xf32> to vector<1x1x1xf32>
    %reduce_sum3A_109 = vector.extract %reduce_sum3A_108[0, 0, 0] : f32 from vector<1x1x1xf32>
    %add3A_110 = arith.addf %reduce_sum3A_102, %reduce_sum3A_35 : f32
    %add3A_111 = arith.addf %reduce_sum3A_109, %reduce_sum3A_41 : f32
    %div3A_112 = arith.divf %add3A_110, %add3A_111 : f32
    %swap3A = arith.constant 0 : index
    %swap3A_113 = arith.constant 0 : index
    %swap3A_114 = memref.load %arg8[%swap3A, %swap3A_113] : memref<1x1xf32, #tpu.memory_space<smem>>
    memref.store %div3A_112, %arg8[%swap3A, %swap3A_113] : memref<1x1xf32, #tpu.memory_space<smem>>
    return
  }
}

</mosaic_0001>

<sc_bundles>
// kernel: kernel.5.cloned.1.call-start
scs
__scs_entry_jumppad:
0x0: {  	(pc) =	sbr.rel $0x88, $3  }
0x1: {  	(tag) =	ssettag $0x0;
	lr =	simm.s32 $0x1  }
0x2: {  	[smem:$0x3F9E] =	sst lr;
	_ =	strace $0xD0000000  }
0x3: {  	_ = 	snop  }
0x4: {  	_ = 	snop  }
0x5: {  	_ = 	snop  }
0x6: {  	_ = 	snop  }
0x7: {  	_ = 	snop  }
__scs_overlays_trampoline_lowered:
0x8: {  	[smem:$0x3FAD] =	sst s0  }
0x9: {  	[smem:$0x3FAE] =	sst s1  }
0xa: {  	[smem:$0x3FAF] =	sst s2  }
0xb: {  	[smem:$0x3FB0] =	sst s3  }
0xc: {  	[smem:$0x3FB1] =	sst s4  }
0xd: {  	[smem:$0x3FB2] =	sst s5  }
0xe: {  	[smem:$0x3FB3] =	sst s6  }
0xf: {  	[smem:$0x3FB4] =	sst s7  }
0x10: {  	[smem:$0x3FB5] =	sst s8  }
0x11: {  	[smem:$0x3FB6] =	sst s9;
	s0 =	simm.s32 @!p0 $0x0  }
0x12: {  	s1 =	sld [smem:$0x3F9C];
	s0 =	simm.s32 @p0 $0x1  }
0x13: {  	[smem:$0x3FB7] =	sst s0;
	s0 =	simm.s32 @!p1 $0x0  }
0x14: {  	s2 =	sld [smem:$0x3F9B];
	s0 =	simm.s32 @p1 $0x1  }
0x15: {  	[smem:$0x3FB8] =	sst s0;
	s0 =	simm.s32 @!p2 $0x0  }
0x16: {  	s3 =	sld [smem:$0x3FDB];
	s0 =	simm.s32 @p2 $0x1  }
0x17: {  	s4 =	simm.s32 $0x1BF5;
	[smem:$0x3FBA] =	sst s0  }
0x18: {  	s0 =	sld [smem:$0x3F9D];
	_ =	swait.ge [sflag:s4], $0x0  }
0x19: {  	s7 =	sld [smem:$0x3F9E]  }
0x1a: {  	s8 =	sadd.s32 $0xFFFFE003, lr  }
0x1b: {  	s9 =	sadd.s32 $0xFFFFFEF7, lr;
	s5 =	simm.s32 $0xFFFFFFFF;
	p2 =	slt.u32 s8, $0xFFFFF086  }
0x1c: {  	p1 =	slt.u32 s9, $0xF7A;
	s5 =	simm.s32 @!p2 $0x0  }
0x1d: {  	s5 =	simm.s32 @p1 $0x1;
	p0 =	seq.s32 s7, s2  }
0x1e: {  	s7 =	smul.u32 @!p0 $0xF7A, s2;
	p2 =	seq.s32 @!p0 s5, $0x0  }
0x1f: {  	s9 =	smul.u32 $0xF7A, s1;
	s8 =	simm.s32 @!p0 $0x1BF5;
	p2 =	por !p2, p0  }
0x20: {  	[sflag:s8] =	ssyncset.s32 @!p0 $0xFFFFF086;
	s6 =	sadd.s32 @!p0 s3, s7;
	s7 =	simm.s32 @!p0 $0x108  }
0x21: {  	s3 =	sadd.s32 s3, s9;
	s6 =	sadd.s32 @!p0 $0x88, s6;
	s7 =	simm.s32 @p2 $0x1082  }
0x22: {  	[simem:s7], [sflag:s8] =	dma.local @!p0 [hbm:s6], $0xF7A  }
0x23: {  	s9 =	sor.u32 $0xD0000000, s2;
	s6 =	simm.s32 $0x108;
	_ =	swait.ge @!p0 [sflag:s8], $0x0  }
0x24: {  	s3 =	sadd.s32 $0x88, s3;
	s6 =	simm.s32 @!p1 $0x1082;
	[sflag:s4] =	ssyncset.s32 $0xFFFFF086  }
0x25: {  	[simem:s6], [sflag:s4] =	dma.local [hbm:s3], $0xF7A  }
0x26: {  	[smem:$0x3F9E] =	sst s1;
	(tag) =	ssettag s2;
	_ =	strace s9  }
0x27: {  	s1 =	sld [smem:$0x3FAE]  }
0x28: {  	s2 =	sld [smem:$0x3FAF]  }
0x29: {  	s4 =	sld [smem:$0x3FB1]  }
0x2a: {  	p0 =	seq.s32 s5, $0x0;
	s5 =	sld [smem:$0x3FB2]  }
0x2b: {  	s6 =	sld [smem:$0x3FB3]  }
0x2c: {  	s7 =	sld [smem:$0x3FB4]  }
0x2d: {  	s3 =	simm.s32 $0x108;
	s8 =	sld [smem:$0x3FB5]  }
0x2e: {  	s3 =	simm.s32 @!p0 $0x1082;
	s9 =	sld [smem:$0x3FB6]  }
0x2f: {  	lr =	sadd.s32 s0, s3;
	s0 =	sld [smem:$0x3FAD]  }
0x30: {  	s3 =	sld [smem:$0x3FB0]  }
0x31: {  	[smem:$0x3FB9] =	sst s10  }
0x32: {  	s10 =	sld [smem:$0x3FB7];
	_ =	sdelay $0x3  }
0x33: {  	p0 =	seq.s32 s10, $0x1;
	s10 =	sld [smem:$0x3FB9];
	_ =	sdelay $0x3  }
0x34: {  	[smem:$0x3FB9] =	sst s10  }
0x35: {  	s10 =	sld [smem:$0x3FB8];
	_ =	sdelay $0x3  }
0x36: {  	p1 =	seq.s32 s10, $0x1;
	s10 =	sld [smem:$0x3FB9];
	_ =	sdelay $0x3  }
0x37: {  	[smem:$0x3FB9] =	sst s10  }
0x38: {  	s10 =	sld [smem:$0x3FBA]  }
0x39: {  	_ = 	snop;
	(pc) =	sbr.ind lr, $3  }
0x3a: {  	_ = 	snop  }
0x3b: {  	_ = 	snop  }
0x3c: {  	p2 =	seq.s32 s10, $0x1;
	s10 =	sld [smem:$0x3FB9]  }
0x3d: {  	_ =	shalt  }
0x3e: {  	_ =	shalt  }
0x3f: {  	_ =	shalt  }
0x40: {  	_ =	shalt  }
0x41: {  	_ =	shalt  }
0x42: {  	_ =	shalt  }
0x43: {  	_ =	shalt  }
0x44: {  	_ =	shalt  }
0x45: {  	_ =	shalt  }
0x46: {  	_ =	shalt  }
0x47: {  	_ =	shalt  }
0x48: {  	_ =	shalt  }
0x49: {  	_ =	shalt  }
0x4a: {  	_ =	shalt  }
0x4b: {  	_ =	shalt  }
0x4c: {  	_ =	shalt  }
0x4d: {  	_ =	shalt  }
0x4e: {  	_ =	shalt  }
0x4f: {  	_ =	shalt  }
0x50: {  	_ =	shalt  }
0x51: {  	_ =	shalt  }
0x52: {  	_ =	shalt  }
0x53: {  	_ =	shalt  }
0x54: {  	_ =	shalt  }
0x55: {  	_ =	shalt  }
0x56: {  	_ =	shalt  }
0x57: {  	_ =	shalt  }
0x58: {  	_ =	shalt  }
0x59: {  	_ =	shalt  }
0x5a: {  	_ =	shalt  }
0x5b: {  	_ =	shalt  }
0x5c: {  	_ =	shalt  }
0x5d: {  	_ =	shalt  }
0x5e: {  	_ =	shalt  }
0x5f: {  	_ =	shalt  }
0x60: {  	_ =	shalt  }
0x61: {  	_ =	shalt  }
0x62: {  	_ =	shalt  }
0x63: {  	_ =	shalt  }
0x64: {  	_ =	shalt  }
0x65: {  	_ =	shalt  }
0x66: {  	_ =	shalt  }
0x67: {  	_ =	shalt  }
0x68: {  	_ =	shalt  }
0x69: {  	_ =	shalt  }
0x6a: {  	_ =	shalt  }
0x6b: {  	_ =	shalt  }
0x6c: {  	_ =	shalt  }
0x6d: {  	_ =	shalt  }
0x6e: {  	_ =	shalt  }
0x6f: {  	_ =	shalt  }
0x70: {  	_ =	shalt  }
0x71: {  	_ =	shalt  }
0x72: {  	_ =	shalt  }
0x73: {  	_ =	shalt  }
0x74: {  	_ =	shalt  }
0x75: {  	_ =	shalt  }
0x76: {  	_ =	shalt  }
0x77: {  	_ =	shalt  }
0x78: {  	_ =	shalt  }
0x79: {  	_ =	shalt  }
0x7a: {  	_ =	shalt  }
0x7b: {  	_ =	shalt  }
0x7c: {  	_ =	shalt  }
0x7d: {  	_ =	shalt  }
0x7e: {  	_ =	shalt  }
0x7f: {  	_ =	shalt  }
0x80: {  	_ =	shalt  }
0x81: {  	_ =	shalt  }
0x82: {  	_ =	shalt  }
0x83: {  	_ =	shalt  }
0x84: {  	_ =	shalt  }
0x85: {  	_ =	shalt  }
0x86: {  	_ =	shalt  }
0x87: {  	_ =	shalt  }
.Lfunc_end0:
.L_simem_size_0:
called_computation_lowered:
.L_overlay_start_0:
0x88: {  	s2 =	sld [smem:$0x3FD9]  }
0x89: {  	s3 =	sld [smem:$0x3FFE];
	_ =	sdelay $0x1  }
0x8a: {  	s1 =	srdreg.scid  }
0x8b: {  	s0 =	sand.u32 $0x1, s1  }
0x8c: {  	s16 =	sshll.u32 s0, $0xA;
	s2 =	sadd.s32 s3, s2  }
0x8d: {  	s2 =	sadd.s32 s2, s16  }
0x8e: {  	[smem:$0x3FC5] =	sst s2  }
0x8f: {  	_ = 	snop  }
0x90: {  	(tm) =	ssettm $0x1  }
0x91: {  	s17 =	sld [smem:$0x3FFB];
	_ =	sdelay $0x3  }
0x92: {  	_ =	strace s17  }
0x93: {  	s2 =	sld [smem:$0x3FFC];
	_ =	sdelay $0x3  }
0x94: {  	_ =	strace s2  }
0x95: {  	s2 =	sld [smem:$0x3FFD];
	_ =	sdelay $0x3  }
0x96: {  	_ =	strace s2  }
0x97: {  	_ =	strace $0x8FFFFFFF  }
0x98: {  	s18 =	sld [smem:$0x3FDB];
	_ =	sdelay $0x1  }
0x99: {  	s19 =	simm.s32 $_scs_section_size  }
0x9a: {  	s4 =	simm.s32 $_size__tile_overlayer_lowered;
	s5 =	simm.s32 $_tile_overlayer_lowered  }
0x9b: {  	s22 =	simm.s32 $0x1BFF;
	s21 =	sshll.u32 s5, $0x1;
	s2 =	sadd.s32 s19, s18  }
0x9c: {  	s6 =	simm.s32 $0x0;
	s20 =	sshll.u32 s4, $0x1;
	s4 =	sadd.s32 s21, s2  }
0x9d: {  	[timem:s6], [sflag:s22] =	dma.local [hbm:s4], s20  }
0x9e: {  	_ =	swait.ge [sflag:s22], s20  }
0x9f: {  	s3 =	ssub.s32 $0x0, s20;
	[sflag:s22] =	ssyncset.done $0x0  }
0xa0: {  	[sflag:s22] =	ssyncadd.s32 s3;
	_ =	sdelay $0x1  }
0xa1: {  	s23 =	simm.s32 $0x1B8B  }
0xa2: {  	_ =	swait.ge [sflag:s23], $0x1  }
0xa3: {  	[sflag:s23] =	ssyncset.done $0x0  }
0xa4: {  	s25 =	simm.s32 $0x1B8E;
	s24 =	sld [smem:$0x3FFE];
	[sflag:s23] =	ssyncadd.s32 $0xFFFFFFFF  }
0xa5: {  	s26 =	simm.s32 $execute0_lowered;
	[smem:$0x3FD2] =	sst s25  }
0xa6: {  	s4 =	sshll.u32 s26, $0x1;
	_ =	strace $0x80000046;
	[dreg:$0x1] =	wrdreg $0xFFFFFFFF  }
0xa7: {  	s28 =	simm.s32 $_size_execute0_lowered;
	s2 =	sadd.s32 s2, s4;
	[dreg:$0x0] =	wrdreg $0x0  }
0xa8: {  	s4 =	sshll.u32 s28, $0x1;
	[dreg:$0x2] =	wrdreg s2  }
0xa9: {  	[dreg:$0x3] =	wrdreg s4  }
0xaa: {  	[dreg:$0x4] =	wrdreg $0xC0  }
0xab: {  	_ =	task [dreg:s6], $0x5FFFF  }
0xac: {  	[dreg:$0x1] =	wrdreg $0xFFFFFFFF  }
0xad: {  	[dreg:$0x0] =	wrdreg $0x60  }
0xae: {  	[dreg:$0x2] =	wrdreg s24  }
0xaf: {  	[dreg:$0x3] =	wrdreg $0x10E000  }
0xb0: {  	[dreg:$0x4] =	wrdreg $0x14E000  }
0xb1: {  	[dreg:$0x5] =	wrdreg $0x9  }
0xb2: {  	_ =	task.clear_ibuf [dreg:s6], $0x6FFFF;
	_ =	strace $0x90000046  }
0xb3: {  	s29 =	simm.s32 $0x9;
	_ =	strace $0x80000048  }
0xb4: {  	_ =	swait.ge [sflag:s29], $0x1  }
0xb5: {  	[sflag:s29] =	ssyncadd.s32 $0xFFFFFFFF  }
0xb6: {  	_ =	strace $0x90000048  }
0xb7: {  	_ =	sfence  }
0xb8: {  	s30 =	sld [smem:$0x0];
	_ =	sdelay $0x2  }
0xb9: {  	s31 =	sshll.u32 s1, $0xD;
	s1 =	sshrl.u32 s1, $0x2  }
0xba: {  	s3 =	sand.u32 $0x4000, s31;
	s1 =	sadd.s32 s1, s30  }
0xbb: {  	s0 =	sor.u32 s3, s0;
	s1 =	sshll.u32 s1, $0x11  }
0xbc: {  	s0 =	sor.u32 s1, s0  }
0xbd: {  	s0 =	sadd.s32 $0x8F2B, s0  }
0xbe: {  	[sflag:s0] =	ssyncadd.remote.s32 $0x1  }
0xbf: {  	_ =	sfence.sel $0xFFFF  }
0xc0: {  	[dreg:$0x0] =	wrdreg $0xFFFFFFFF;
	(pc) =	sbr.abs _section_cstart, $3  }
0xc1: {  	[dreg:$0x1] =	wrdreg $0xFFFFFFFF  }
0xc2: {  	_ =	task.clear_ibuf [dreg:s6], $0x2FFFF;
	_ =	strace $0x9FFFFFFF  }
0xc3: {  	(tm) =	ssettm $0x7FFFFFFF  }
tec
execute0_lowered:
.L_overlay_start_1:
0x0: {  	(tag) =	ssettag $0x1  }
0x1: {  	s10 =	rddreg [dreg:$0x0]  }
0x2: {  	s1 =	rddreg [dreg:$0x1]  }
0x3: {  	s2 =	rddreg [dreg:$0x2];
	s3 =	simm.s32 $0x0  }
0x4: {  	s4 =	srdreg.scid;
	[smem:$0x7FF] =	sst s3  }
0x5: {  	s9 =	sadd.s32 $0x41C00, s10;
	s29 =	sand.u32 $0x1, s4;
	s26 =	sadd.s32 $0x68400, s10  }
0x6: {  	s4 =	stileid.u32;
	s11 =	sadd.s32 $0x65000, s10;
	s12 =	sadd.s32 $0x61C00, s10  }
0x7: {  	s6 =	sadd.s32 $0x1C00, s10;
	s15 =	sshll.u32 s4, $0xE;
	s16 =	sshll.u32 s29, $0x13  }
0x8: {  	s7 =	sadd.s32 $0x6EC00, s10;
	s8 =	sadd.s32 $0x82400, s10;
	s16 =	sor.u32 s15, s16  }
0x9: {  	_ =	strace $0x80000047;
	s5 =	sshll.u32 s29, $0x5;
	s16 =	sshrl.u32 s16, $0x3  }
0xa: {  	s13 =	sor.u32 s4, s5;
	s5 =	sadd.s32 $0x21C00, s10;
	s25 =	sadd.s32 s9, s16  }
0xb: {  	s14 =	smul.u32 $0xD0, s13;
	s31 =	sadd.s32 s5, s16;
	[dreg:$0x6] =	wrdreg s25  }
0xc: {  	s28 =	sadd.s32 $0x88C00, s10;
	s16 =	sadd.s32 s6, s16;
	[dreg:$0x7] =	wrdreg s31  }
0xd: {  	s18 =	sadd.s32 $0x75400, s10;
	s17 =	sadd.s32 s11, s14;
	[dreg:$0x8] =	wrdreg s16  }
0xe: {  	s19 =	sadd.s32 $0x78800, s10;
	s24 =	sadd.s32 s12, s14;
	[dreg:$0x4] =	wrdreg s17  }
0xf: {  	s20 =	sadd.s32 $0x7F000, s10;
	s0 =	sadd.s32 s18, s14;
	[dreg:$0x5] =	wrdreg s24  }
0x10: {  	s13 =	smul.u32 $0x1A0, s13;
	s21 =	sadd.s32 s19, s14;
	[dreg:$0x9] =	wrdreg s0  }
0x11: {  	s30 =	sadd.s32 $0x8F400, s10;
	s23 =	sadd.s32 s20, s14;
	[dreg:$0xa] =	wrdreg s21  }
0x12: {  	s25 =	sshllo.u32 s29, $0x1;
	s31 =	sadd.s32 s8, s13;
	[dreg:$0xc] =	wrdreg s23  }
0x13: {  	s17 =	sadd.s32 $0x7BC00, s10;
	s24 =	sadd.s32 s7, s13;
	[dreg:$0xe] =	wrdreg s31  }
0x14: {  	s0 =	sshll.u32 s25, $0x4;
	s21 =	sadd.s32 s26, s13;
	[dreg:$0xd] =	wrdreg s24  }
0x15: {  	s23 =	sadd.s32 s30, s13;
	s16 =	sor.u32 s4, s0;
	[dreg:$0xf] =	wrdreg s21  }
0x16: {  	s22 =	sadd.s32 s17, s14;
	[dreg:$0x11] =	wrdreg s23;
	s21 =	smul.u32 $0xD0, s16  }
0x17: {  	s24 =	sshll.u32 s25, $0x12;
	[dreg:$0xb] =	wrdreg s22;
	s22 =	sadd.s32 s28, s13  }
0x18: {  	s25 =	sor.u32 s15, s24;
	[dreg:$0x10] =	wrdreg s22;
	s11 =	sadd.s32 s11, s21  }
0x19: {  	s10 =	sshrl.u32 s25, $0x3;
	s31 =	sadd.s32 s12, s21;
	[dreg:$0x12] =	wrdreg s11  }
0x1a: {  	s9 =	sadd.s32 s9, s10;
	[dreg:$0x13] =	wrdreg s31  }
0x1b: {  	s0 =	sadd.s32 s5, s10;
	[dreg:$0x14] =	wrdreg s9  }
0x1c: {  	s12 =	sadd.s32 s18, s21;
	[dreg:$0x15] =	wrdreg s0  }
0x1d: {  	s13 =	sadd.s32 s19, s21;
	[dreg:$0x17] =	wrdreg s12  }
0x1e: {  	s14 =	sadd.s32 s17, s21;
	[dreg:$0x18] =	wrdreg s13  }
0x1f: {  	s15 =	sadd.s32 s20, s21;
	[dreg:$0x19] =	wrdreg s14  }
0x20: {  	s31 =	smul.u32 $0x1A0, s16;
	[dreg:$0x1a] =	wrdreg s15  }
0x21: {  	s11 =	sadd.s32 s6, s10;
	s16 =	rddreg [dreg:$0x4]  }
0x22: {  	[dreg:$0x16] =	wrdreg s11;
	s7 =	sadd.s32 s7, s31  }
0x23: {  	s17 =	sadd.s32 s8, s31;
	[dreg:$0x1b] =	wrdreg s7  }
0x24: {  	s8 =	simm.s32 $0x3;
	[dreg:$0x1c] =	wrdreg s17;
	s7 =	simm.s32 $0xCD00  }
0x25: {  	[tilespmem:s7], [sflag:$0x3] =	stream.linear.gather [hbm4b:s16+s3], $0x680, $0x38;
	[tilespmem:$0x18E00] =	vst v63  }
0x26: {  	_ =	swait.ge [sflag:s8], $0x680  }
0x27: {  	[sflag:s8] =	ssyncset.done $0x0  }
0x28: {  	s9 =	simm.s32 $0xD380;
	s18 =	rddreg [dreg:$0x5];
	[sflag:s8] =	ssyncadd.s32 $0xFFFFF980  }
0x29: {  	[tilespmem:s9], [sflag:$0x3] =	stream.linear.gather [hbm4b:s18+s3], $0x680, $0x38;
	[tilespmem:$0x18E00] =	vst v63  }
0x2a: {  	_ =	swait.ge [sflag:s8], $0x680  }
0x2b: {  	[sflag:s8] =	ssyncset.done $0x0  }
0x2c: {  	s10 =	simm.s32 $0x680;
	s11 =	simm.s32 $0xF400;
	[sflag:s8] =	ssyncadd.s32 $0xFFFFF980  }
0x2d: {  	[tilespmem:s11], [sflag:$0x2] =	stream.indirect.gather [hbm4b:s5+s10], $0x1, s7, s10, $0xb8;
	[tilespmem:$0x18E00] =	vst v63  }
0x2e: {  	s12 =	simm.s32 $0xFA80  }
0x2f: {  	[tilespmem:s12], [sflag:$0x2] =	stream.indirect.gather [hbm4b:s5+s10], $0x1, s9, s10, $0xb8;
	[tilespmem:$0x18E00] =	vst v63  }
0x30: {  	s13 =	simm.s32 $0x10100  }
0x31: {  	[tilespmem:s13], [sflag:$0x2] =	stream.indirect.gather [hbm4b:s6+s10], $0x1, s7, s10, $0xb8;
	[tilespmem:$0x18E00] =	vst v63  }
0x32: {  	s14 =	simm.s32 $0x10780  }
0x33: {  	[tilespmem:s14], [sflag:$0x2] =	stream.indirect.gather [hbm4b:s6+s10], $0x1, s9, s10, $0xb8;
	[tilespmem:$0x18E00] =	vst v63  }
0x34: {  	s19 =	rddreg [dreg:$0x6]  }
0x35: {  	[tilespmem:s3], [sflag:$0x3] =	stream.linear.gather [hbm4b:s19+s3], $0x4000, $0x38;
	[tilespmem:$0x18E00] =	vst v63  }
0x36: {  	_ =	swait.ge [sflag:s8], $0x4000  }
0x37: {  	[sflag:s8] =	ssyncset.done $0x0  }
0x38: {  	s15 =	simm.s32 $0x4000;
	s20 =	rddreg [dreg:$0x7];
	[sflag:s8] =	ssyncadd.s32 $0xFFFFC000  }
0x39: {  	[tilespmem:s15], [sflag:$0x3] =	stream.linear.gather [hbm4b:s20+s3], $0x4000, $0x38;
	[tilespmem:$0x18E00] =	vst v63  }
0x3a: {  	_ =	swait.ge [sflag:s8], $0x4000  }
0x3b: {  	[sflag:s8] =	ssyncset.done $0x0  }
0x3c: {  	s16 =	simm.s32 $0x8000;
	s21 =	rddreg [dreg:$0x8];
	[sflag:s8] =	ssyncadd.s32 $0xFFFFC000  }
0x3d: {  	[tilespmem:s16], [sflag:$0x3] =	stream.linear.gather [hbm4b:s21+s3], $0x4000, $0x38;
	[tilespmem:$0x18E00] =	vst v63  }
0x3e: {  	_ =	swait.ge [sflag:s8], $0x4000  }
0x3f: {  	[sflag:s8] =	ssyncset.done $0x0  }
0x40: {  	[sflag:s8] =	ssyncadd.s32 $0xFFFFC000  }
0x41: {  	[spmem:s1] =	stream.indirect.scatter [tilespmem:s15], [sflag:$0x1], $0x1, s3, s15, $0xb8;
	[tilespmem:$0x18E00] =	vst v63  }
0x42: {  	s17 =	simm.s32 $0x1  }
0x43: {  	[spmem:s2] =	stream.indirect.scatter [tilespmem:s16], [sflag:$0x1], $0x1, s3, s15, $0xb8;
	[tilespmem:$0x18E00] =	vst v63  }
0x44: {  	_ =	swait.ge [sflag:s17], $0x4000  }
0x45: {  	[sflag:s17] =	ssyncset.done $0x0  }
0x46: {  	[sflag:s17] =	ssyncadd.s32 $0xFFFFC000  }
0x47: {  	_ =	swait.ge [sflag:s17], $0x4000  }
0x48: {  	[sflag:s17] =	ssyncset.done $0x0  }
0x49: {  	s18 =	simm.s32 $0x2;
	[sflag:s17] =	ssyncadd.s32 $0xFFFFC000  }
0x4a: {  	_ =	swait.ge [sflag:s18], $0x680  }
0x4b: {  	[sflag:s18] =	ssyncset.done $0x0  }
0x4c: {  	[sflag:s18] =	ssyncadd.s32 $0xFFFFF980  }
0x4d: {  	_ =	swait.ge [sflag:s18], $0x680  }
0x4e: {  	[sflag:s18] =	ssyncset.done $0x0  }
0x4f: {  	[sflag:s18] =	ssyncadd.s32 $0xFFFFF980  }
0x50: {  	_ =	swait.ge [sflag:s18], $0x680  }
0x51: {  	[sflag:s18] =	ssyncset.done $0x0  }
0x52: {  	[sflag:s18] =	ssyncadd.s32 $0xFFFFF980  }
0x53: {  	_ =	swait.ge [sflag:s18], $0x680  }
0x54: {  	[sflag:s18] =	ssyncset.done $0x0  }
0x55: {  	s22 =	rddreg [dreg:$0x9];
	[sflag:s18] =	ssyncadd.s32 $0xFFFFF980  }
0x56: {  	[hbm4b:s22+s3] =	stream.linear.scatter [tilespmem:s11], [sflag:$0x3], $0x680, $0x38;
	[tilespmem:$0x18E00] =	vst v63  }
0x57: {  	_ =	swait.ge [sflag:s8], $0x680  }
0x58: {  	[sflag:s8] =	ssyncset.done $0x0  }
0x59: {  	s23 =	rddreg [dreg:$0xa];
	[sflag:s8] =	ssyncadd.s32 $0xFFFFF980  }
0x5a: {  	[hbm4b:s23+s3] =	stream.linear.scatter [tilespmem:s12], [sflag:$0x3], $0x680, $0x38;
	[tilespmem:$0x18E00] =	vst v63  }
0x5b: {  	_ =	swait.ge [sflag:s8], $0x680  }
0x5c: {  	[sflag:s8] =	ssyncset.done $0x0  }
0x5d: {  	s24 =	rddreg [dreg:$0xb];
	[sflag:s8] =	ssyncadd.s32 $0xFFFFF980  }
0x5e: {  	[hbm4b:s24+s3] =	stream.linear.scatter [tilespmem:s13], [sflag:$0x3], $0x680, $0x38;
	[tilespmem:$0x18E00] =	vst v63  }
0x5f: {  	_ =	swait.ge [sflag:s8], $0x680  }
0x60: {  	[sflag:s8] =	ssyncset.done $0x0  }
0x61: {  	s25 =	rddreg [dreg:$0xc];
	[sflag:s8] =	ssyncadd.s32 $0xFFFFF980  }
0x62: {  	[hbm4b:s25+s3] =	stream.linear.scatter [tilespmem:s14], [sflag:$0x3], $0x680, $0x38;
	[tilespmem:$0x18E00] =	vst v63  }
0x63: {  	_ =	swait.ge [sflag:s8], $0x680  }
0x64: {  	s0 =	smul.u32 $0xD00, s4;
	[sflag:s8] =	ssyncset.done $0x0  }
0x65: {  	[sflag:s8] =	ssyncadd.s32 $0xFFFFF980  }
0x66: {  	s23 =	sadd.s32 s0, s1;
	s24 =	sshll.u32 s4, $0x6;
	[bflag:$0x0] =	sbarrier.arrive $0xFFFF  }
0x67: {  	s19 =	sshrl.u32 s23, $0x3;
	s20 =	sor.u32 $0x1C03, s24;
	s22 =	rddreg [dreg:$0xd]  }
0x68: {  	[hbm:s22], [sflag:s20] =	dma.local [spmem:s19], $0x1A0  }
0x69: {  	_ =	swait.ge [sflag:s8], $0x1A0  }
0x6a: {  	s21 =	sadd.s32 s0, s2;
	[sflag:s8] =	ssyncset.done $0x0  }
0x6b: {  	s21 =	sshrl.u32 s21, $0x3;
	s25 =	rddreg [dreg:$0xe];
	[sflag:s8] =	ssyncadd.s32 $0xFFFFFE60  }
0x6c: {  	[hbm:s25], [sflag:s20] =	dma.local [spmem:s21], $0x1A0  }
0x6d: {  	_ =	swait.ge [sflag:s8], $0x1A0  }
0x6e: {  	[sflag:s8] =	ssyncset.done $0x0  }
0x6f: {  	s22 =	simm.s32 $0xC000;
	s23 =	rddreg [dreg:$0xf];
	[sflag:s8] =	ssyncadd.s32 $0xFFFFFE60  }
0x70: {  	[tilespmem:s22], [sflag:$0x3] =	stream.linear.gather [hbm4b:s23+s3], $0xD00, $0x38;
	[tilespmem:$0x18E00] =	vst v63  }
0x71: {  	_ =	swait.ge [sflag:s8], $0xD00  }
0x72: {  	[sflag:s8] =	ssyncset.done $0x0  }
0x73: {  	s24 =	simm.s32 $0xDA00;
	s23 =	simm.s32 $0xD00;
	[sflag:s8] =	ssyncadd.s32 $0xFFFFF300  }
0x74: {  	[tilespmem:s24], [sflag:$0x1] =	stream.indirect.gather [spmem:s1], $0x1, s22, s23, $0xb8;
	[tilespmem:$0x18E00] =	vst v63  }
0x75: {  	s25 =	simm.s32 $0xE700  }
0x76: {  	[tilespmem:s25], [sflag:$0x1] =	stream.indirect.gather [spmem:s2], $0x1, s22, s23, $0xb8;
	[tilespmem:$0x18E00] =	vst v63  }
0x77: {  	_ =	swait.ge [sflag:s17], $0xD00  }
0x78: {  	[sflag:s17] =	ssyncset.done $0x0  }
0x79: {  	[sflag:s17] =	ssyncadd.s32 $0xFFFFF300  }
0x7a: {  	_ =	swait.ge [sflag:s17], $0xD00  }
0x7b: {  	[sflag:s17] =	ssyncset.done $0x0  }
0x7c: {  	s0 =	rddreg [dreg:$0x10];
	[sflag:s17] =	ssyncadd.s32 $0xFFFFF300  }
0x7d: {  	[hbm4b:s0+s3] =	stream.linear.scatter [tilespmem:s24], [sflag:$0x3], $0xD00, $0x38;
	[tilespmem:$0x18E00] =	vst v63  }
0x7e: {  	_ =	swait.ge [sflag:s8], $0xD00  }
0x7f: {  	[sflag:s8] =	ssyncset.done $0x0  }
0x80: {  	s0 =	rddreg [dreg:$0x11];
	[sflag:s8] =	ssyncadd.s32 $0xFFFFF300  }
0x81: {  	[hbm4b:s0+s3] =	stream.linear.scatter [tilespmem:s25], [sflag:$0x3], $0xD00, $0x38;
	[tilespmem:$0x18E00] =	vst v63  }
0x82: {  	_ =	swait.ge [sflag:s8], $0xD00  }
0x83: {  	[sflag:s8] =	ssyncset.done $0x0  }
0x84: {  	[sflag:s8] =	ssyncadd.s32 $0xFFFFF300  }
0x85: {  	[bflag:$0x0] =	sbarrier.arrive $0xFFFF  }
0x86: {  	s0 =	rddreg [dreg:$0x12]  }
0x87: {  	[tilespmem:s7], [sflag:$0x3] =	stream.linear.gather [hbm4b:s0+s3], $0x680, $0x38;
	[tilespmem:$0x18E00] =	vst v63  }
0x88: {  	_ =	swait.ge [sflag:s8], $0x680  }
0x89: {  	[sflag:s8] =	ssyncset.done $0x0  }
0x8a: {  	s0 =	rddreg [dreg:$0x13];
	[sflag:s8] =	ssyncadd.s32 $0xFFFFF980  }
0x8b: {  	[tilespmem:s9], [sflag:$0x3] =	stream.linear.gather [hbm4b:s0+s3], $0x680, $0x38;
	[tilespmem:$0x18E00] =	vst v63  }
0x8c: {  	_ =	swait.ge [sflag:s8], $0x680  }
0x8d: {  	[sflag:s8] =	ssyncset.done $0x0  }
0x8e: {  	[sflag:s8] =	ssyncadd.s32 $0xFFFFF980  }
0x8f: {  	[tilespmem:s11], [sflag:$0x2] =	stream.indirect.gather [hbm4b:s5+s10], $0x1, s7, s10, $0xb8;
	[tilespmem:$0x18E00] =	vst v63  }
0x90: {  	_ = 	snop  }
0x91: {  	[tilespmem:s12], [sflag:$0x2] =	stream.indirect.gather [hbm4b:s5+s10], $0x1, s9, s10, $0xb8;
	[tilespmem:$0x18E00] =	vst v63  }
0x92: {  	_ = 	snop  }
0x93: {  	[tilespmem:s13], [sflag:$0x2] =	stream.indirect.gather [hbm4b:s6+s10], $0x1, s7, s10, $0xb8;
	[tilespmem:$0x18E00] =	vst v63  }
0x94: {  	_ = 	snop  }
0x95: {  	[tilespmem:s14], [sflag:$0x2] =	stream.indirect.gather [hbm4b:s6+s10], $0x1, s9, s10, $0xb8;
	[tilespmem:$0x18E00] =	vst v63  }
0x96: {  	s0 =	rddreg [dreg:$0x14]  }
0x97: {  	[tilespmem:s3], [sflag:$0x3] =	stream.linear.gather [hbm4b:s0+s3], $0x4000, $0x38;
	[tilespmem:$0x18E00] =	vst v63  }
0x98: {  	_ =	swait.ge [sflag:s8], $0x4000  }
0x99: {  	[sflag:s8] =	ssyncset.done $0x0  }
0x9a: {  	s0 =	rddreg [dreg:$0x15];
	[sflag:s8] =	ssyncadd.s32 $0xFFFFC000  }
0x9b: {  	[tilespmem:s15], [sflag:$0x3] =	stream.linear.gather [hbm4b:s0+s3], $0x4000, $0x38;
	[tilespmem:$0x18E00] =	vst v63  }
0x9c: {  	_ =	swait.ge [sflag:s8], $0x4000  }
0x9d: {  	[sflag:s8] =	ssyncset.done $0x0  }
0x9e: {  	s0 =	rddreg [dreg:$0x16];
	[sflag:s8] =	ssyncadd.s32 $0xFFFFC000  }
0x9f: {  	[tilespmem:s16], [sflag:$0x3] =	stream.linear.gather [hbm4b:s0+s3], $0x4000, $0x38;
	[tilespmem:$0x18E00] =	vst v63  }
0xa0: {  	_ =	swait.ge [sflag:s8], $0x4000  }
0xa1: {  	[sflag:s8] =	ssyncset.done $0x0  }
0xa2: {  	[sflag:s8] =	ssyncadd.s32 $0xFFFFC000  }
0xa3: {  	[spmem:s1] =	stream.indirect.scatter [tilespmem:s15], [sflag:$0x1], $0x1, s3, s15, $0xb8;
	[tilespmem:$0x18E00] =	vst v63  }
0xa4: {  	_ = 	snop  }
0xa5: {  	[spmem:s2] =	stream.indirect.scatter [tilespmem:s16], [sflag:$0x1], $0x1, s3, s15, $0xb8;
	[tilespmem:$0x18E00] =	vst v63  }
0xa6: {  	_ =	swait.ge [sflag:s17], $0x4000  }
0xa7: {  	[sflag:s17] =	ssyncset.done $0x0  }
0xa8: {  	[sflag:s17] =	ssyncadd.s32 $0xFFFFC000  }
0xa9: {  	_ =	swait.ge [sflag:s17], $0x4000  }
0xaa: {  	[sflag:s17] =	ssyncset.done $0x0  }
0xab: {  	[sflag:s17] =	ssyncadd.s32 $0xFFFFC000  }
0xac: {  	_ =	swait.ge [sflag:s18], $0x680  }
0xad: {  	[sflag:s18] =	ssyncset.done $0x0  }
0xae: {  	[sflag:s18] =	ssyncadd.s32 $0xFFFFF980  }
0xaf: {  	_ =	swait.ge [sflag:s18], $0x680  }
0xb0: {  	[sflag:s18] =	ssyncset.done $0x0  }
0xb1: {  	[sflag:s18] =	ssyncadd.s32 $0xFFFFF980  }
0xb2: {  	_ =	swait.ge [sflag:s18], $0x680  }
0xb3: {  	[sflag:s18] =	ssyncset.done $0x0  }
0xb4: {  	[sflag:s18] =	ssyncadd.s32 $0xFFFFF980  }
0xb5: {  	_ =	swait.ge [sflag:s18], $0x680  }
0xb6: {  	[sflag:s18] =	ssyncset.done $0x0  }
0xb7: {  	s0 =	rddreg [dreg:$0x17];
	[sflag:s18] =	ssyncadd.s32 $0xFFFFF980  }
0xb8: {  	[hbm4b:s0+s3] =	stream.linear.scatter [tilespmem:s11], [sflag:$0x3], $0x680, $0x38;
	[tilespmem:$0x18E00] =	vst v63  }
0xb9: {  	_ =	swait.ge [sflag:s8], $0x680  }
0xba: {  	[sflag:s8] =	ssyncset.done $0x0  }
0xbb: {  	s0 =	rddreg [dreg:$0x18];
	[sflag:s8] =	ssyncadd.s32 $0xFFFFF980  }
0xbc: {  	[hbm4b:s0+s3] =	stream.linear.scatter [tilespmem:s12], [sflag:$0x3], $0x680, $0x38;
	[tilespmem:$0x18E00] =	vst v63  }
0xbd: {  	_ =	swait.ge [sflag:s8], $0x680  }
0xbe: {  	[sflag:s8] =	ssyncset.done $0x0  }
0xbf: {  	s0 =	rddreg [dreg:$0x19];
	[sflag:s8] =	ssyncadd.s32 $0xFFFFF980  }
0xc0: {  	[hbm4b:s0+s3] =	stream.linear.scatter [tilespmem:s13], [sflag:$0x3], $0x680, $0x38;
	[tilespmem:$0x18E00] =	vst v63  }
0xc1: {  	_ =	swait.ge [sflag:s8], $0x680  }
0xc2: {  	[sflag:s8] =	ssyncset.done $0x0  }
0xc3: {  	s0 =	rddreg [dreg:$0x1a];
	[sflag:s8] =	ssyncadd.s32 $0xFFFFF980  }
0xc4: {  	[hbm4b:s0+s3] =	stream.linear.scatter [tilespmem:s14], [sflag:$0x3], $0x680, $0x38;
	[tilespmem:$0x18E00] =	vst v63  }
0xc5: {  	_ =	swait.ge [sflag:s8], $0x680  }
0xc6: {  	[sflag:s8] =	ssyncset.done $0x0  }
0xc7: {  	[sflag:s8] =	ssyncadd.s32 $0xFFFFF980  }
0xc8: {  	[bflag:$0x0] =	sbarrier.arrive $0xFFFF  }
0xc9: {  	s0 =	rddreg [dreg:$0x1b]  }
0xca: {  	[hbm:s0], [sflag:s20] =	dma.local [spmem:s19], $0x1A0  }
0xcb: {  	_ =	swait.ge [sflag:s8], $0x1A0  }
0xcc: {  	[sflag:s8] =	ssyncset.done $0x0  }
0xcd: {  	s0 =	rddreg [dreg:$0x1c];
	[sflag:s8] =	ssyncadd.s32 $0xFFFFFE60  }
0xce: {  	[hbm:s0], [sflag:s20] =	dma.local [spmem:s21], $0x1A0  }
0xcf: {  	_ =	swait.ge [sflag:s8], $0x1A0  }
0xd0: {  	[sflag:s8] =	ssyncset.done $0x0  }
0xd1: {  	s26 =	sadd.s32 s26, s31;
	[sflag:s8] =	ssyncadd.s32 $0xFFFFFE60  }
0xd2: {  	[tilespmem:s22], [sflag:$0x3] =	stream.linear.gather [hbm4b:s26+s3], $0xD00, $0x38;
	[tilespmem:$0x18E00] =	vst v63  }
0xd3: {  	_ =	swait.ge [sflag:s8], $0xD00  }
0xd4: {  	[sflag:s8] =	ssyncset.done $0x0  }
0xd5: {  	[sflag:s8] =	ssyncadd.s32 $0xFFFFF300  }
0xd6: {  	[tilespmem:s24], [sflag:$0x1] =	stream.indirect.gather [spmem:s1], $0x1, s22, s23, $0xb8;
	[tilespmem:$0x18E00] =	vst v63  }
0xd7: {  	_ = 	snop  }
0xd8: {  	[tilespmem:s25], [sflag:$0x1] =	stream.indirect.gather [spmem:s2], $0x1, s22, s23, $0xb8;
	[tilespmem:$0x18E00] =	vst v63  }
0xd9: {  	_ =	swait.ge [sflag:s17], $0xD00  }
0xda: {  	[sflag:s17] =	ssyncset.done $0x0  }
0xdb: {  	[sflag:s17] =	ssyncadd.s32 $0xFFFFF300  }
0xdc: {  	s0 =	ssub.s32 $0x2, s29;
	_ =	swait.ge [sflag:s17], $0xD00  }
0xdd: {  	s29 =	sshrl.u32 s0, $0x1;
	[sflag:s17] =	ssyncset.done $0x0  }
0xde: {  	s28 =	sadd.s32 s28, s31;
	s0 =	ssub.s32 s0, s29;
	[sflag:s17] =	ssyncadd.s32 $0xFFFFF300  }
0xdf: {  	[hbm4b:s28+s3] =	stream.linear.scatter [tilespmem:s24], [sflag:$0x3], $0xD00, $0x38;
	[tilespmem:$0x18E00] =	vst v63  }
0xe0: {  	s0 =	smax.u32 s0, $0x1;
	_ =	swait.ge [sflag:s8], $0xD00  }
0xe1: {  	p0 =	sne.s32 s0, $0x1;
	[sflag:s8] =	ssyncset.done $0x0  }
.Ltmp0:
0xe2: {  	s29 =	sadd.s32 s30, s31;
	[sflag:s8] =	ssyncadd.s32 $0xFFFFF300;
	(pc) =	sbr.rel @!p0 .LBB2_2-.Ltmp0, $4  }
0xe3: {  	[hbm4b:s29+s3] =	stream.linear.scatter [tilespmem:s25], [sflag:$0x3], $0xD00, $0x38;
	[tilespmem:$0x18E00] =	vst v63  }
0xe4: {  	_ =	swait.ge [sflag:s8], $0xD00  }
0xe5: {  	[sflag:s8] =	ssyncset.done $0x0  }
0xe6: {  	s30 =	sadd.s32 $0xFFFFFFFF, s0;
	[sflag:s8] =	ssyncadd.s32 $0xFFFFF300  }
.LBB2_1:
0xe7: {  	[bflag:$0x0] =	sbarrier.arrive $0xFFFF  }
0xe8: {  	s0 =	rddreg [dreg:$0x4]  }
0xe9: {  	[tilespmem:s7], [sflag:$0x3] =	stream.linear.gather [hbm4b:s0+s3], $0x680, $0x38;
	[tilespmem:$0x18E00] =	vst v63  }
0xea: {  	_ =	swait.ge [sflag:s8], $0x680  }
0xeb: {  	[sflag:s8] =	ssyncset.done $0x0  }
0xec: {  	s31 =	rddreg [dreg:$0x5];
	[sflag:s8] =	ssyncadd.s32 $0xFFFFF980  }
0xed: {  	[tilespmem:s9], [sflag:$0x3] =	stream.linear.gather [hbm4b:s31+s3], $0x680, $0x38;
	[tilespmem:$0x18E00] =	vst v63  }
0xee: {  	_ =	swait.ge [sflag:s8], $0x680  }
0xef: {  	[sflag:s8] =	ssyncset.done $0x0  }
0xf0: {  	[sflag:s8] =	ssyncadd.s32 $0xFFFFF980  }
0xf1: {  	[tilespmem:s11], [sflag:$0x2] =	stream.indirect.gather [hbm4b:s5+s10], $0x1, s7, s10, $0xb8;
	[tilespmem:$0x18E00] =	vst v63  }
0xf2: {  	_ = 	snop  }
0xf3: {  	[tilespmem:s12], [sflag:$0x2] =	stream.indirect.gather [hbm4b:s5+s10], $0x1, s9, s10, $0xb8;
	[tilespmem:$0x18E00] =	vst v63  }
0xf4: {  	_ = 	snop  }
0xf5: {  	[tilespmem:s13], [sflag:$0x2] =	stream.indirect.gather [hbm4b:s6+s10], $0x1, s7, s10, $0xb8;
	[tilespmem:$0x18E00] =	vst v63  }
0xf6: {  	_ = 	snop  }
0xf7: {  	[tilespmem:s14], [sflag:$0x2] =	stream.indirect.gather [hbm4b:s6+s10], $0x1, s9, s10, $0xb8;
	[tilespmem:$0x18E00] =	vst v63  }
0xf8: {  	s31 =	rddreg [dreg:$0x6]  }
0xf9: {  	[tilespmem:s3], [sflag:$0x3] =	stream.linear.gather [hbm4b:s31+s3], $0x4000, $0x38;
	[tilespmem:$0x18E00] =	vst v63  }
0xfa: {  	_ =	swait.ge [sflag:s8], $0x4000  }
0xfb: {  	[sflag:s8] =	ssyncset.done $0x0  }
0xfc: {  	s31 =	rddreg [dreg:$0x7];
	[sflag:s8] =	ssyncadd.s32 $0xFFFFC000  }
0xfd: {  	[tilespmem:s15], [sflag:$0x3] =	stream.linear.gather [hbm4b:s31+s3], $0x4000, $0x38;
	[tilespmem:$0x18E00] =	vst v63  }
0xfe: {  	_ =	swait.ge [sflag:s8], $0x4000  }
0xff: {  	[sflag:s8] =	ssyncset.done $0x0  }
0x100: {  	s31 =	rddreg [dreg:$0x8];
	[sflag:s8] =	ssyncadd.s32 $0xFFFFC000  }
0x101: {  	[tilespmem:s16], [sflag:$0x3] =	stream.linear.gather [hbm4b:s31+s3], $0x4000, $0x38;
	[tilespmem:$0x18E00] =	vst v63  }
0x102: {  	_ =	swait.ge [sflag:s8], $0x4000  }
0x103: {  	[sflag:s8] =	ssyncset.done $0x0  }
0x104: {  	[sflag:s8] =	ssyncadd.s32 $0xFFFFC000  }
0x105: {  	[spmem:s1] =	stream.indirect.scatter [tilespmem:s15], [sflag:$0x1], $0x1, s3, s15, $0xb8;
	[tilespmem:$0x18E00] =	vst v63  }
0x106: {  	_ = 	snop  }
0x107: {  	[spmem:s2] =	stream.indirect.scatter [tilespmem:s16], [sflag:$0x1], $0x1, s3, s15, $0xb8;
	[tilespmem:$0x18E00] =	vst v63  }
0x108: {  	_ =	swait.ge [sflag:s17], $0x4000  }
0x109: {  	[sflag:s17] =	ssyncset.done $0x0  }
0x10a: {  	[sflag:s17] =	ssyncadd.s32 $0xFFFFC000  }
0x10b: {  	_ =	swait.ge [sflag:s17], $0x4000  }
0x10c: {  	[sflag:s17] =	ssyncset.done $0x0  }
0x10d: {  	[sflag:s17] =	ssyncadd.s32 $0xFFFFC000  }
0x10e: {  	_ =	swait.ge [sflag:s18], $0x680  }
0x10f: {  	[sflag:s18] =	ssyncset.done $0x0  }
0x110: {  	[sflag:s18] =	ssyncadd.s32 $0xFFFFF980  }
0x111: {  	_ =	swait.ge [sflag:s18], $0x680  }
0x112: {  	[sflag:s18] =	ssyncset.done $0x0  }
0x113: {  	[sflag:s18] =	ssyncadd.s32 $0xFFFFF980  }
0x114: {  	_ =	swait.ge [sflag:s18], $0x680  }
0x115: {  	[sflag:s18] =	ssyncset.done $0x0  }
0x116: {  	[sflag:s18] =	ssyncadd.s32 $0xFFFFF980  }
0x117: {  	_ =	swait.ge [sflag:s18], $0x680  }
0x118: {  	[sflag:s18] =	ssyncset.done $0x0  }
0x119: {  	s31 =	rddreg [dreg:$0x9];
	[sflag:s18] =	ssyncadd.s32 $0xFFFFF980  }
0x11a: {  	[hbm4b:s31+s3] =	stream.linear.scatter [tilespmem:s11], [sflag:$0x3], $0x680, $0x38;
	[tilespmem:$0x18E00] =	vst v63  }
0x11b: {  	_ =	swait.ge [sflag:s8], $0x680  }
0x11c: {  	[sflag:s8] =	ssyncset.done $0x0  }
0x11d: {  	s31 =	rddreg [dreg:$0xa];
	[sflag:s8] =	ssyncadd.s32 $0xFFFFF980  }
0x11e: {  	[hbm4b:s31+s3] =	stream.linear.scatter [tilespmem:s12], [sflag:$0x3], $0x680, $0x38;
	[tilespmem:$0x18E00] =	vst v63  }
0x11f: {  	_ =	swait.ge [sflag:s8], $0x680  }
0x120: {  	[sflag:s8] =	ssyncset.done $0x0  }
0x121: {  	s31 =	rddreg [dreg:$0xb];
	[sflag:s8] =	ssyncadd.s32 $0xFFFFF980  }
0x122: {  	[hbm4b:s31+s3] =	stream.linear.scatter [tilespmem:s13], [sflag:$0x3], $0x680, $0x38;
	[tilespmem:$0x18E00] =	vst v63  }
0x123: {  	_ =	swait.ge [sflag:s8], $0x680  }
0x124: {  	[sflag:s8] =	ssyncset.done $0x0  }
0x125: {  	s31 =	rddreg [dreg:$0xc];
	[sflag:s8] =	ssyncadd.s32 $0xFFFFF980  }
0x126: {  	[hbm4b:s31+s3] =	stream.linear.scatter [tilespmem:s14], [sflag:$0x3], $0x680, $0x38;
	[tilespmem:$0x18E00] =	vst v63  }
0x127: {  	_ =	swait.ge [sflag:s8], $0x680  }
0x128: {  	[sflag:s8] =	ssyncset.done $0x0  }
0x129: {  	[sflag:s8] =	ssyncadd.s32 $0xFFFFF980  }
0x12a: {  	[bflag:$0x0] =	sbarrier.arrive $0xFFFF  }
0x12b: {  	s31 =	rddreg [dreg:$0xd]  }
0x12c: {  	[hbm:s31], [sflag:s20] =	dma.local [spmem:s19], $0x1A0  }
0x12d: {  	_ =	swait.ge [sflag:s8], $0x1A0  }
0x12e: {  	[sflag:s8] =	ssyncset.done $0x0  }
0x12f: {  	s31 =	rddreg [dreg:$0xe];
	[sflag:s8] =	ssyncadd.s32 $0xFFFFFE60  }
0x130: {  	[hbm:s31], [sflag:s20] =	dma.local [spmem:s21], $0x1A0  }
0x131: {  	_ =	swait.ge [sflag:s8], $0x1A0  }
0x132: {  	[sflag:s8] =	ssyncset.done $0x0  }
0x133: {  	s31 =	rddreg [dreg:$0xf];
	[sflag:s8] =	ssyncadd.s32 $0xFFFFFE60  }
0x134: {  	[tilespmem:s22], [sflag:$0x3] =	stream.linear.gather [hbm4b:s31+s3], $0xD00, $0x38;
	[tilespmem:$0x18E00] =	vst v63  }
0x135: {  	_ =	swait.ge [sflag:s8], $0xD00  }
0x136: {  	[sflag:s8] =	ssyncset.done $0x0  }
0x137: {  	[sflag:s8] =	ssyncadd.s32 $0xFFFFF300  }
0x138: {  	[tilespmem:s24], [sflag:$0x1] =	stream.indirect.gather [spmem:s1], $0x1, s22, s23, $0xb8;
	[tilespmem:$0x18E00] =	vst v63  }
0x139: {  	_ = 	snop  }
0x13a: {  	[tilespmem:s25], [sflag:$0x1] =	stream.indirect.gather [spmem:s2], $0x1, s22, s23, $0xb8;
	[tilespmem:$0x18E00] =	vst v63  }
0x13b: {  	_ =	swait.ge [sflag:s17], $0xD00  }
0x13c: {  	[sflag:s17] =	ssyncset.done $0x0  }
0x13d: {  	[sflag:s17] =	ssyncadd.s32 $0xFFFFF300  }
0x13e: {  	_ =	swait.ge [sflag:s17], $0xD00  }
0x13f: {  	[sflag:s17] =	ssyncset.done $0x0  }
0x140: {  	s31 =	rddreg [dreg:$0x10];
	[sflag:s17] =	ssyncadd.s32 $0xFFFFF300  }
0x141: {  	[hbm4b:s31+s3] =	stream.linear.scatter [tilespmem:s24], [sflag:$0x3], $0xD00, $0x38;
	[tilespmem:$0x18E00] =	vst v63  }
0x142: {  	_ =	swait.ge [sflag:s8], $0xD00  }
0x143: {  	[sflag:s8] =	ssyncset.done $0x0  }
0x144: {  	s31 =	rddreg [dreg:$0x11];
	[sflag:s8] =	ssyncadd.s32 $0xFFFFF300  }
0x145: {  	[hbm4b:s31+s3] =	stream.linear.scatter [tilespmem:s25], [sflag:$0x3], $0xD00, $0x38;
	[tilespmem:$0x18E00] =	vst v63  }
0x146: {  	_ =	swait.ge [sflag:s8], $0xD00  }
0x147: {  	[sflag:s8] =	ssyncset.done $0x0  }
0x148: {  	[sflag:s8] =	ssyncadd.s32 $0xFFFFF300  }
0x149: {  	[bflag:$0x0] =	sbarrier.arrive $0xFFFF  }
0x14a: {  	s31 =	rddreg [dreg:$0x12]  }
0x14b: {  	[tilespmem:s7], [sflag:$0x3] =	stream.linear.gather [hbm4b:s31+s3], $0x680, $0x38;
	[tilespmem:$0x18E00] =	vst v63  }
0x14c: {  	_ =	swait.ge [sflag:s8], $0x680  }
0x14d: {  	[sflag:s8] =	ssyncset.done $0x0  }
0x14e: {  	s31 =	rddreg [dreg:$0x13];
	[sflag:s8] =	ssyncadd.s32 $0xFFFFF980  }
0x14f: {  	[tilespmem:s9], [sflag:$0x3] =	stream.linear.gather [hbm4b:s31+s3], $0x680, $0x38;
	[tilespmem:$0x18E00] =	vst v63  }
0x150: {  	_ =	swait.ge [sflag:s8], $0x680  }
0x151: {  	[sflag:s8] =	ssyncset.done $0x0  }
0x152: {  	[sflag:s8] =	ssyncadd.s32 $0xFFFFF980  }
0x153: {  	[tilespmem:s11], [sflag:$0x2] =	stream.indirect.gather [hbm4b:s5+s10], $0x1, s7, s10, $0xb8;
	[tilespmem:$0x18E00] =	vst v63  }
0x154: {  	_ = 	snop  }
0x155: {  	[tilespmem:s12], [sflag:$0x2] =	stream.indirect.gather [hbm4b:s5+s10], $0x1, s9, s10, $0xb8;
	[tilespmem:$0x18E00] =	vst v63  }
0x156: {  	_ = 	snop  }
0x157: {  	[tilespmem:s13], [sflag:$0x2] =	stream.indirect.gather [hbm4b:s6+s10], $0x1, s7, s10, $0xb8;
	[tilespmem:$0x18E00] =	vst v63  }
0x158: {  	_ = 	snop  }
0x159: {  	[tilespmem:s14], [sflag:$0x2] =	stream.indirect.gather [hbm4b:s6+s10], $0x1, s9, s10, $0xb8;
	[tilespmem:$0x18E00] =	vst v63  }
0x15a: {  	s31 =	rddreg [dreg:$0x14]  }
0x15b: {  	[tilespmem:s3], [sflag:$0x3] =	stream.linear.gather [hbm4b:s31+s3], $0x4000, $0x38;
	[tilespmem:$0x18E00] =	vst v63  }
0x15c: {  	_ =	swait.ge [sflag:s8], $0x4000  }
0x15d: {  	[sflag:s8] =	ssyncset.done $0x0  }
0x15e: {  	s31 =	rddreg [dreg:$0x15];
	[sflag:s8] =	ssyncadd.s32 $0xFFFFC000  }
0x15f: {  	[tilespmem:s15], [sflag:$0x3] =	stream.linear.gather [hbm4b:s31+s3], $0x4000, $0x38;
	[tilespmem:$0x18E00] =	vst v63  }
0x160: {  	_ =	swait.ge [sflag:s8], $0x4000  }
0x161: {  	[sflag:s8] =	ssyncset.done $0x0  }
0x162: {  	s31 =	rddreg [dreg:$0x16];
	[sflag:s8] =	ssyncadd.s32 $0xFFFFC000  }
0x163: {  	[tilespmem:s16], [sflag:$0x3] =	stream.linear.gather [hbm4b:s31+s3], $0x4000, $0x38;
	[tilespmem:$0x18E00] =	vst v63  }
0x164: {  	_ =	swait.ge [sflag:s8], $0x4000  }
0x165: {  	[sflag:s8] =	ssyncset.done $0x0  }
0x166: {  	[sflag:s8] =	ssyncadd.s32 $0xFFFFC000  }
0x167: {  	[spmem:s1] =	stream.indirect.scatter [tilespmem:s15], [sflag:$0x1], $0x1, s3, s15, $0xb8;
	[tilespmem:$0x18E00] =	vst v63  }
0x168: {  	_ = 	snop  }
0x169: {  	[spmem:s2] =	stream.indirect.scatter [tilespmem:s16], [sflag:$0x1], $0x1, s3, s15, $0xb8;
	[tilespmem:$0x18E00] =	vst v63  }
0x16a: {  	_ =	swait.ge [sflag:s17], $0x4000  }
0x16b: {  	[sflag:s17] =	ssyncset.done $0x0  }
0x16c: {  	[sflag:s17] =	ssyncadd.s32 $0xFFFFC000  }
0x16d: {  	_ =	swait.ge [sflag:s17], $0x4000  }
0x16e: {  	[sflag:s17] =	ssyncset.done $0x0  }
0x16f: {  	[sflag:s17] =	ssyncadd.s32 $0xFFFFC000  }
0x170: {  	_ =	swait.ge [sflag:s18], $0x680  }
0x171: {  	[sflag:s18] =	ssyncset.done $0x0  }
0x172: {  	[sflag:s18] =	ssyncadd.s32 $0xFFFFF980  }
0x173: {  	_ =	swait.ge [sflag:s18], $0x680  }
0x174: {  	[sflag:s18] =	ssyncset.done $0x0  }
0x175: {  	[sflag:s18] =	ssyncadd.s32 $0xFFFFF980  }
0x176: {  	_ =	swait.ge [sflag:s18], $0x680  }
0x177: {  	[sflag:s18] =	ssyncset.done $0x0  }
0x178: {  	[sflag:s18] =	ssyncadd.s32 $0xFFFFF980  }
0x179: {  	_ =	swait.ge [sflag:s18], $0x680  }
0x17a: {  	[sflag:s18] =	ssyncset.done $0x0  }
0x17b: {  	s31 =	rddreg [dreg:$0x17];
	[sflag:s18] =	ssyncadd.s32 $0xFFFFF980  }
0x17c: {  	[hbm4b:s31+s3] =	stream.linear.scatter [tilespmem:s11], [sflag:$0x3], $0x680, $0x38;
	[tilespmem:$0x18E00] =	vst v63  }
0x17d: {  	_ =	swait.ge [sflag:s8], $0x680  }
0x17e: {  	[sflag:s8] =	ssyncset.done $0x0  }
0x17f: {  	s31 =	rddreg [dreg:$0x18];
	[sflag:s8] =	ssyncadd.s32 $0xFFFFF980  }
0x180: {  	[hbm4b:s31+s3] =	stream.linear.scatter [tilespmem:s12], [sflag:$0x3], $0x680, $0x38;
	[tilespmem:$0x18E00] =	vst v63  }
0x181: {  	_ =	swait.ge [sflag:s8], $0x680  }
0x182: {  	[sflag:s8] =	ssyncset.done $0x0  }
0x183: {  	s31 =	rddreg [dreg:$0x19];
	[sflag:s8] =	ssyncadd.s32 $0xFFFFF980  }
0x184: {  	[hbm4b:s31+s3] =	stream.linear.scatter [tilespmem:s13], [sflag:$0x3], $0x680, $0x38;
	[tilespmem:$0x18E00] =	vst v63  }
0x185: {  	_ =	swait.ge [sflag:s8], $0x680  }
0x186: {  	[sflag:s8] =	ssyncset.done $0x0  }
0x187: {  	s31 =	rddreg [dreg:$0x1a];
	[sflag:s8] =	ssyncadd.s32 $0xFFFFF980  }
0x188: {  	[hbm4b:s31+s3] =	stream.linear.scatter [tilespmem:s14], [sflag:$0x3], $0x680, $0x38;
	[tilespmem:$0x18E00] =	vst v63  }
0x189: {  	_ =	swait.ge [sflag:s8], $0x680  }
0x18a: {  	[sflag:s8] =	ssyncset.done $0x0  }
0x18b: {  	[sflag:s8] =	ssyncadd.s32 $0xFFFFF980  }
0x18c: {  	[bflag:$0x0] =	sbarrier.arrive $0xFFFF  }
0x18d: {  	s31 =	rddreg [dreg:$0x1b]  }
0x18e: {  	[hbm:s31], [sflag:s20] =	dma.local [spmem:s19], $0x1A0  }
0x18f: {  	_ =	swait.ge [sflag:s8], $0x1A0  }
0x190: {  	[sflag:s8] =	ssyncset.done $0x0  }
0x191: {  	s31 =	rddreg [dreg:$0x1c];
	[sflag:s8] =	ssyncadd.s32 $0xFFFFFE60  }
0x192: {  	[hbm:s31], [sflag:s20] =	dma.local [spmem:s21], $0x1A0  }
0x193: {  	_ =	swait.ge [sflag:s8], $0x1A0  }
0x194: {  	[sflag:s8] =	ssyncset.done $0x0  }
0x195: {  	[sflag:s8] =	ssyncadd.s32 $0xFFFFFE60  }
0x196: {  	[tilespmem:s22], [sflag:$0x3] =	stream.linear.gather [hbm4b:s26+s3], $0xD00, $0x38;
	[tilespmem:$0x18E00] =	vst v63  }
0x197: {  	_ =	swait.ge [sflag:s8], $0xD00  }
0x198: {  	[sflag:s8] =	ssyncset.done $0x0  }
0x199: {  	[sflag:s8] =	ssyncadd.s32 $0xFFFFF300  }
0x19a: {  	[tilespmem:s24], [sflag:$0x1] =	stream.indirect.gather [spmem:s1], $0x1, s22, s23, $0xb8;
	[tilespmem:$0x18E00] =	vst v63  }
0x19b: {  	_ = 	snop  }
0x19c: {  	[tilespmem:s25], [sflag:$0x1] =	stream.indirect.gather [spmem:s2], $0x1, s22, s23, $0xb8;
	[tilespmem:$0x18E00] =	vst v63  }
0x19d: {  	_ =	swait.ge [sflag:s17], $0xD00  }
0x19e: {  	[sflag:s17] =	ssyncset.done $0x0  }
0x19f: {  	[sflag:s17] =	ssyncadd.s32 $0xFFFFF300  }
0x1a0: {  	_ =	swait.ge [sflag:s17], $0xD00  }
0x1a1: {  	[sflag:s17] =	ssyncset.done $0x0  }
0x1a2: {  	[sflag:s17] =	ssyncadd.s32 $0xFFFFF300  }
0x1a3: {  	[hbm4b:s28+s3] =	stream.linear.scatter [tilespmem:s24], [sflag:$0x3], $0xD00, $0x38;
	[tilespmem:$0x18E00] =	vst v63  }
0x1a4: {  	_ =	swait.ge [sflag:s8], $0xD00  }
0x1a5: {  	p0 =	sne.s32 s30, $0x1;
	[sflag:s8] =	ssyncset.done $0x0  }
.Ltmp1:
0x1a6: {  	[sflag:s8] =	ssyncadd.s32 $0xFFFFF300;
	(pc) =	sbr.rel @p0 .LBB2_1-.Ltmp1, $4  }
0x1a7: {  	[hbm4b:s29+s3] =	stream.linear.scatter [tilespmem:s25], [sflag:$0x3], $0xD00, $0x38;
	[tilespmem:$0x18E00] =	vst v63  }
0x1a8: {  	_ =	swait.ge [sflag:s8], $0xD00  }
0x1a9: {  	[sflag:s8] =	ssyncset.done $0x0  }
0x1aa: {  	s30 =	sadd.s32 $0xFFFFFFFF, s30;
	[sflag:s8] =	ssyncadd.s32 $0xFFFFF300  }
.LBB2_2:
0x1ab: {  	[bflag:$0x0] =	sbarrier.arrive $0xFFFF  }
0x1ac: {  	_ =	sfence.sel $0x180000  }
0x1ad: {  	[bflag:$0x0] =	sbarrier.arrive $0xFFFF  }
0x1ae: {  	_ =	strace $0x90000047  }
0x1af: {  	[bflag:$0x2] =	sbarrier.arrive $0xFFFF  }
0x1b0: {  	p0 =	sne.s32 s4, $0x0;
	s0 =	rddreg [dreg:$0x3]  }
0x1b1: {  	s0 =	sadd.s32 @!p0 $0x100000, s0  }
0x1b2: {  	[sflag:s0] =	ssyncadd.tile.s32 @!p0 $0x1;
	_ =	shalt  }
.Lfunc_end2:
_tile_overlayer_lowered:
.L_overlay_start_2:
0x1b3: {  	(tag) =	ssettag $0x2  }
0x1b4: {  	s0 =	rddreg [dreg:$0x0];
	s2 =	stileid.u32  }
0x1b5: {  	s1 =	rddreg [dreg:$0x1];
	p0 =	sne.s32 s2, $0x0  }
0x1b6: {  	s3 =	rddreg [dreg:$0x2];
	[bflag:$0x3] =	sbarrier.arrive $0xFFFF;
	s2 =	simm.s32 @!p0 $0x1C03  }
0x1b7: {  	[timem:s3], [sflag:s2] =	dma.local @!p0 [hbm:s0], s1  }
0x1b8: {  	s0 =	simm.s32 @!p0 $0x3  }
0x1b9: {  	_ =	swait.ge @!p0 [sflag:s0], s1  }
0x1ba: {  	s1 =	ssub.s32 @!p0 $0x0, s1;
	[sflag:s0] =	ssyncset.done @!p0 $0x0  }
0x1bb: {  	[sflag:s0] =	ssyncadd.s32 @!p0 s1  }
0x1bc: {  	[bflag:$0x3] =	sbarrier.arrive $0xFFFF  }
0x1bd: {  	_ =	shalt  }

</sc_bundles>
